<compile_context>
chip_gen: v7x
topology: tpu7x:2x2x1
jax: 0.10.2.dev20260603
libtpu: 0.0.44.dev20260713+nightly
codegen_flags: <defaults>
</compile_context>

<pallas_src>
import functools

import jax
import jax.numpy as jnp
from jax import lax
from jax.experimental import pallas as pl
from jax.experimental.pallas import tpu as pltpu
from jax.experimental.pallas import tpu_sc as plsc

_D = 100
_DP = 128
_T = 200
_NB = 4096
_NW = 32
_WB = _NB // _NW
_HB = _WB // 2

_mesh = plsc.VectorSubcoreMesh(core_axis_name="c", subcore_axis_name="s")


def _pad_body(t_ref, o_ref):
    o_ref[:, :_D] = t_ref[...]
    o_ref[:, _D:] = jnp.zeros((t_ref.shape[0], _DP - _D), jnp.float32)


def _pad_table(t):
    rows, blk = t.shape[0], 2000
    return pl.pallas_call(
        _pad_body,
        grid=(rows // blk,),
        in_specs=[pl.BlockSpec((blk, _D), lambda i: (i, 0))],
        out_specs=pl.BlockSpec((blk, _DP), lambda i: (i, 0)),
        out_shape=jax.ShapeDtypeStruct((rows, _DP), jnp.float32),
    )(t)


@functools.partial(
    pl.kernel,
    out_type=jax.ShapeDtypeStruct((_NB, _T, _D), jnp.float32),
    mesh=_mesh,
    compiler_params=pltpu.CompilerParams(use_tc_tiling_on_sc=True),
    scratch_types=[
        pltpu.VMEM((_HB, _T), jnp.int32),
        pltpu.VMEM((_T, _DP), jnp.float32),
        pltpu.VMEM((_T, _DP), jnp.float32),
        pltpu.VMEM((1, _T, _D), jnp.float32),
        pltpu.VMEM((1, _T, _D), jnp.float32),
        pltpu.SemaphoreType.DMA,
        pltpu.SemaphoreType.DMA,
        pltpu.SemaphoreType.DMA,
        pltpu.SemaphoreType.DMA,
    ],
)
def _emb_lookup(x_hbm, table_hbm, out_hbm, idx_v, rows_a, rows_b,
                comp_a, comp_b, sga, sgb, soa, sob):
    wid = lax.axis_index("s") * 2 + lax.axis_index("c")
    wb = wid * _WB

    def fire(r, rows, sg):
        pltpu.async_copy(table_hbm.at[idx_v.at[r, pl.ds(0, 128)]],
                         rows.at[pl.ds(0, 128)], sg)
        pltpu.async_copy(table_hbm.at[idx_v.at[r, pl.ds(128, _T - 128)]],
                         rows.at[pl.ds(128, _T - 128)], sg)

    def wait_gather(rows, sg):
        pltpu.make_async_copy(table_hbm.at[pl.ds(0, _T)], rows, sg).wait()

    def compact(rows, comp):
        def row_body(t, c2):
            for o in (0, 16, 32, 48, 64, 80, 84):
                comp[0, t, pl.ds(o, 16)] = rows[t, pl.ds(o, 16)]
            return c2
        lax.fori_loop(0, _T, row_body, 0)

    def wait_out(comp, so):
        pltpu.make_async_copy(comp, out_hbm.at[pl.ds(0, 1)], so).wait()

    for h in range(2):
        pltpu.sync_copy(x_hbm.at[pl.ds(wb + h * _HB, _HB)], idx_v)
        ob = wb + h * _HB
        fire(0, rows_a, sga)

        def body(i, carry):
            it = 2 * i

            @pl.when(it + 1 < _HB)
            def _():
                fire(it + 1, rows_b, sgb)

            wait_gather(rows_a, sga)

            @pl.when(i > 0)
            def _():
                wait_out(comp_a, soa)

            compact(rows_a, comp_a)
            pltpu.async_copy(comp_a, out_hbm.at[pl.ds(ob + it, 1)], soa)

            @pl.when(it + 2 < _HB)
            def _():
                fire(it + 2, rows_a, sga)

            wait_gather(rows_b, sgb)

            @pl.when(i > 0)
            def _():
                wait_out(comp_b, sob)

            compact(rows_b, comp_b)
            pltpu.async_copy(comp_b, out_hbm.at[pl.ds(ob + it + 1, 1)], sob)
            return carry

        lax.fori_loop(0, _HB // 2, body, 0)
        wait_out(comp_a, soa)
        wait_out(comp_b, sob)


_BB = 128
_BT = 8


def _tr_body(i_ref, o_ref):
    o_ref[...] = jnp.transpose(i_ref[...], (2, 1, 0))


def _to_xla_layout(o):
    return pl.pallas_call(
        _tr_body,
        grid=(_NB // _BB, _T // _BT),
        in_specs=[pl.BlockSpec((_BB, _BT, _D), lambda i, j: (i, j, 0))],
        out_specs=pl.BlockSpec((_D, _BT, _BB), lambda i, j: (0, j, i)),
        out_shape=jax.ShapeDtypeStruct((_D, _T, _NB), jnp.float32),
    )(o)


def kernel(x, table):
    table_p = _pad_table(table)
    out = _emb_lookup(x.astype(jnp.int32), table_p)
    return jnp.transpose(_to_xla_layout(out), (2, 1, 0))

# --- scband reference (transcript-rebuilt; emitter-appended) ---
"""Pipeline reference for scband-glove-embedding-8254927143406 (READ-ONLY COPY).

The authoritative reference and input builder live on the scoring server;
editing this copy changes nothing except your own understanding.
"""

import jax, jax.numpy as jnp
import numpy as np

VOCAB = 100000
DIM = 100
PAD_IDX = 0


def setup_inputs(seed: int = 0) -> dict:
    key = jax.random.key(seed)
    k1, k2 = jax.random.split(key)
    x = jax.random.randint(k1, (4096, 200), 0, VOCAB)
    # Emulate GloVe-initialized table: pretrained vectors / uniform(-0.25, 0.25) for OOV,
    # zeros at padding_idx.
    table = jax.random.uniform(k2, (VOCAB, DIM), dtype=jnp.float32, minval=-0.25, maxval=0.25)
    table = table.at[PAD_IDX].set(0.0)
    return {"x": x, "table": table}


def reference(x, table):
    # GloveEmbedding.forward: self.embedding(x) -> row gather from pretrained table
    return jnp.take(table, x, axis=0)

if __name__ == "__main__":
    import jax
    _d = setup_inputs()
    print(jax.jit(kernel)(*tuple(_d.values())))

</pallas_src>

<mosaic_0001>
#map = affine_map<(d0, d1) -> (0, 0)>
#map1 = affine_map<(d0, d1) -> (0, 0, 0)>
module attributes {stable_mosaic.version = 14 : i64} {
  func.func @_emb_lookup(%arg0: i32, %arg1: i32, %arg2: memref<4096x200xi32, #tpu.memory_space<hbm>>, %arg3: memref<100000x128xf32, #tpu.memory_space<hbm>>, %arg4: memref<4096x200x100xf32, #tpu.memory_space<hbm>>, %arg5: memref<64x200xi32, #tpu.memory_space<vmem>>, %arg6: memref<200x128xf32, #tpu.memory_space<vmem>>, %arg7: memref<200x128xf32, #tpu.memory_space<vmem>>, %arg8: memref<1x200x100xf32, #tpu.memory_space<vmem>>, %arg9: memref<1x200x100xf32, #tpu.memory_space<vmem>>, %arg10: memref<!tpu.dma_semaphore, #tpu.memory_space<semaphore_mem>>, %arg11: memref<!tpu.dma_semaphore, #tpu.memory_space<semaphore_mem>>, %arg12: memref<!tpu.dma_semaphore, #tpu.memory_space<semaphore_mem>>, %arg13: memref<!tpu.dma_semaphore, #tpu.memory_space<semaphore_mem>>) attributes {dimension_semantics = [#tpu.dimension_semantics<core_parallel>, #tpu.dimension_semantics<subcore_parallel>], iteration_bounds = array<i64: 2, 16>, scalar_prefetch = 0 : i64, scratch_operands = 9 : i64, tpu.core_type = #tpu.core_type<sc_vector_subcore>, window_params = [{transform_indices = #map}, {transform_indices = #map}, {transform_indices = #map1}]} {
    %mul3A = arith.constant 2 : i32
    %mul3A_0 = arith.muli %arg1, %mul3A : i32
    %add3A = arith.addi %mul3A_0, %arg0 : i32
    %mul3A_1 = arith.constant 128 : i32
    %mul3A_2 = arith.muli %add3A, %mul3A_1 : i32
    %add3A_3 = arith.constant 0 : i32
    %add3A_4 = arith.addi %mul3A_2, %add3A_3 : i32
    "tpu.region"() ({
      %run_scoped3A = tpu.sem_alloc : memref<!tpu.dma_semaphore, #tpu.memory_space<semaphore_mem>>
      %dma_start3A_92 = arith.constant 0 : i32
      %dma_start3A_93 = tpu.memref_slice %arg2[%add3A_4, %dma_start3A_92] : memref<4096x200xi32, #tpu.memory_space<hbm>> -> memref<64x200xi32, #tpu.memory_space<hbm>>
      %dma_start3A_94 = arith.constant 0 : i32
      %dma_start3A_95 = tpu.memref_slice %arg2[%add3A_4, %dma_start3A_94] : memref<4096x200xi32, #tpu.memory_space<hbm>> -> memref<64x200xi32, #tpu.memory_space<hbm>>
      tpu.enqueue_dma source(%dma_start3A_95 : memref<64x200xi32, #tpu.memory_space<hbm>>) target(%arg5 : memref<64x200xi32, #tpu.memory_space<vmem>>) target_semaphore(%run_scoped3A : memref<!tpu.dma_semaphore, #tpu.memory_space<semaphore_mem>>)
      %dma_wait3A_96 = arith.constant 0 : i32
      %dma_wait3A_97 = tpu.memref_slice %arg2[%add3A_4, %dma_wait3A_96] : memref<4096x200xi32, #tpu.memory_space<hbm>> -> memref<64x200xi32, #tpu.memory_space<hbm>>
      %dma_wait3A_98 = arith.constant 0 : i32
      %dma_wait3A_99 = tpu.memref_slice %arg2[%add3A_4, %dma_wait3A_98] : memref<4096x200xi32, #tpu.memory_space<hbm>> -> memref<64x200xi32, #tpu.memory_space<hbm>>
      tpu.wait_dma2 semaphore(%run_scoped3A : memref<!tpu.dma_semaphore, #tpu.memory_space<semaphore_mem>>) src(%dma_wait3A_99 : memref<64x200xi32, #tpu.memory_space<hbm>>) dst(%arg5 : memref<64x200xi32, #tpu.memory_space<vmem>>)
      tpu.yield
    }) : () -> ()
    %add3A_5 = arith.constant 0 : i32
    %add3A_6 = arith.addi %mul3A_2, %add3A_5 : i32
    %dma_start3A = arith.constant 0 : i32
    %dma_start3A_7 = arith.constant 0 : i32
    %dma_start3A_8 = arith.constant 0 : i32
    %dma_start3A_9 = tpu.memref_slice %arg6[%dma_start3A_7, %dma_start3A_8] : memref<200x128xf32, #tpu.memory_space<vmem>> -> memref<128x128xf32, #tpu.memory_space<vmem>>
    %dma_start3A_10 = arith.constant 0 : i32
    %dma_start3A_11 = tpu.memref_slice %arg5[%dma_start3A, %dma_start3A_10] : memref<64x200xi32, #tpu.memory_space<vmem>> -> memref<1x128xi32, #tpu.memory_space<vmem>>
    %dma_start3A_12 = tpu.memref_squeeze %dma_start3A_11 : memref<1x128xi32, #tpu.memory_space<vmem>> -> memref<128xi32, #tpu.memory_space<vmem>>
    %dma_start3A_13 = arith.constant 0 : i32
    %dma_start3A_14 = arith.constant 0 : i32
    %dma_start3A_15 = tpu.memref_slice %arg3[%dma_start3A_13, %dma_start3A_14] : memref<100000x128xf32, #tpu.memory_space<hbm>> -> memref<100000x128xf32, #tpu.memory_space<hbm>>
    tpu.enqueue_indirect_dma source(%dma_start3A_15 : memref<100000x128xf32, #tpu.memory_space<hbm>>) target(%dma_start3A_9 : memref<128x128xf32, #tpu.memory_space<vmem>>) offsets(%dma_start3A_12 : memref<128xi32, #tpu.memory_space<vmem>>) semaphore(%arg10 : memref<!tpu.dma_semaphore, #tpu.memory_space<semaphore_mem>>)
    %dma_start3A_16 = arith.constant 0 : i32
    %dma_start3A_17 = arith.constant 128 : i32
    %dma_start3A_18 = arith.constant 0 : i32
    %dma_start3A_19 = tpu.memref_slice %arg6[%dma_start3A_17, %dma_start3A_18] : memref<200x128xf32, #tpu.memory_space<vmem>> -> memref<72x128xf32, #tpu.memory_space<vmem>>
    %dma_start3A_20 = arith.constant 128 : i32
    %dma_start3A_21 = tpu.memref_slice %arg5[%dma_start3A_16, %dma_start3A_20] : memref<64x200xi32, #tpu.memory_space<vmem>> -> memref<1x72xi32, #tpu.memory_space<vmem>>
    %dma_start3A_22 = tpu.memref_squeeze %dma_start3A_21 : memref<1x72xi32, #tpu.memory_space<vmem>> -> memref<72xi32, #tpu.memory_space<vmem>>
    %dma_start3A_23 = arith.constant 0 : i32
    %dma_start3A_24 = arith.constant 0 : i32
    %dma_start3A_25 = tpu.memref_slice %arg3[%dma_start3A_23, %dma_start3A_24] : memref<100000x128xf32, #tpu.memory_space<hbm>> -> memref<100000x128xf32, #tpu.memory_space<hbm>>
    tpu.enqueue_indirect_dma source(%dma_start3A_25 : memref<100000x128xf32, #tpu.memory_space<hbm>>) target(%dma_start3A_19 : memref<72x128xf32, #tpu.memory_space<vmem>>) offsets(%dma_start3A_22 : memref<72xi32, #tpu.memory_space<vmem>>) semaphore(%arg10 : memref<!tpu.dma_semaphore, #tpu.memory_space<semaphore_mem>>)
    %scan3A = arith.constant 0 : i32
    %scan3A_26 = arith.constant 0 : i32
    %scan3A_27 = arith.constant 32 : i32
    %scan3A_28 = arith.addi %scan3A_26, %scan3A_27 : i32
    %scan3A_29 = arith.constant 1 : i32
    scf.for %scan3A_92 = %scan3A_26 to %scan3A_28 step %scan3A_29  : i32 {
      %mul3A_93 = arith.constant 2 : i32
      %mul3A_94 = arith.muli %mul3A_93, %scan3A_92 : i32
      %add3A_95 = arith.constant 1 : i32
      %add3A_96 = arith.addi %mul3A_94, %add3A_95 : i32
      %lt3A = arith.constant 64 : i32
      %lt3A_97 = arith.cmpi slt, %add3A_96, %lt3A : i32
      %convert_element_type3A = arith.extui %lt3A_97 : i1 to i32
      %cond3A = arith.constant 0 : i32
      %cond3A_98 = arith.cmpi ne, %convert_element_type3A, %cond3A : i32
      scf.if %cond3A_98 {
        %add3A_155 = arith.constant 1 : i32
        %add3A_156 = arith.addi %mul3A_94, %add3A_155 : i32
        %dma_start3A_157 = arith.constant 0 : i32
        %dma_start3A_158 = arith.constant 0 : i32
        %dma_start3A_159 = tpu.memref_slice %arg7[%dma_start3A_157, %dma_start3A_158] : memref<200x128xf32, #tpu.memory_space<vmem>> -> memref<128x128xf32, #tpu.memory_space<vmem>>
        %dma_start3A_160 = arith.constant 0 : i32
        %dma_start3A_161 = tpu.memref_slice %arg5[%add3A_156, %dma_start3A_160] : memref<64x200xi32, #tpu.memory_space<vmem>> -> memref<1x128xi32, #tpu.memory_space<vmem>>
        %dma_start3A_162 = tpu.memref_squeeze %dma_start3A_161 : memref<1x128xi32, #tpu.memory_space<vmem>> -> memref<128xi32, #tpu.memory_space<vmem>>
        %dma_start3A_163 = arith.constant 0 : i32
        %dma_start3A_164 = arith.constant 0 : i32
        %dma_start3A_165 = tpu.memref_slice %arg3[%dma_start3A_163, %dma_start3A_164] : memref<100000x128xf32, #tpu.memory_space<hbm>> -> memref<100000x128xf32, #tpu.memory_space<hbm>>
        tpu.enqueue_indirect_dma source(%dma_start3A_165 : memref<100000x128xf32, #tpu.memory_space<hbm>>) target(%dma_start3A_159 : memref<128x128xf32, #tpu.memory_space<vmem>>) offsets(%dma_start3A_162 : memref<128xi32, #tpu.memory_space<vmem>>) semaphore(%arg11 : memref<!tpu.dma_semaphore, #tpu.memory_space<semaphore_mem>>)
        %dma_start3A_166 = arith.constant 128 : i32
        %dma_start3A_167 = arith.constant 0 : i32
        %dma_start3A_168 = tpu.memref_slice %arg7[%dma_start3A_166, %dma_start3A_167] : memref<200x128xf32, #tpu.memory_space<vmem>> -> memref<72x128xf32, #tpu.memory_space<vmem>>
        %dma_start3A_169 = arith.constant 128 : i32
        %dma_start3A_170 = tpu.memref_slice %arg5[%add3A_156, %dma_start3A_169] : memref<64x200xi32, #tpu.memory_space<vmem>> -> memref<1x72xi32, #tpu.memory_space<vmem>>
        %dma_start3A_171 = tpu.memref_squeeze %dma_start3A_170 : memref<1x72xi32, #tpu.memory_space<vmem>> -> memref<72xi32, #tpu.memory_space<vmem>>
        %dma_start3A_172 = arith.constant 0 : i32
        %dma_start3A_173 = arith.constant 0 : i32
        %dma_start3A_174 = tpu.memref_slice %arg3[%dma_start3A_172, %dma_start3A_173] : memref<100000x128xf32, #tpu.memory_space<hbm>> -> memref<100000x128xf32, #tpu.memory_space<hbm>>
        tpu.enqueue_indirect_dma source(%dma_start3A_174 : memref<100000x128xf32, #tpu.memory_space<hbm>>) target(%dma_start3A_168 : memref<72x128xf32, #tpu.memory_space<vmem>>) offsets(%dma_start3A_171 : memref<72xi32, #tpu.memory_space<vmem>>) semaphore(%arg11 : memref<!tpu.dma_semaphore, #tpu.memory_space<semaphore_mem>>)
      } else {
      }
      %dma_wait3A_99 = arith.constant 0 : i32
      %dma_wait3A_100 = arith.constant 0 : i32
      %dma_wait3A_101 = tpu.memref_slice %arg3[%dma_wait3A_99, %dma_wait3A_100] : memref<100000x128xf32, #tpu.memory_space<hbm>> -> memref<200x128xf32, #tpu.memory_space<hbm>>
      %dma_wait3A_102 = arith.constant 0 : i32
      %dma_wait3A_103 = arith.constant 0 : i32
      %dma_wait3A_104 = tpu.memref_slice %arg3[%dma_wait3A_102, %dma_wait3A_103] : memref<100000x128xf32, #tpu.memory_space<hbm>> -> memref<200x128xf32, #tpu.memory_space<hbm>>
      tpu.wait_dma2 semaphore(%arg10 : memref<!tpu.dma_semaphore, #tpu.memory_space<semaphore_mem>>) src(%dma_wait3A_104 : memref<200x128xf32, #tpu.memory_space<hbm>>) dst(%arg6 : memref<200x128xf32, #tpu.memory_space<vmem>>)
      %gt3A = arith.constant 0 : i32
      %gt3A_105 = arith.cmpi sgt, %scan3A_92, %gt3A : i32
      %convert_element_type3A_106 = arith.extui %gt3A_105 : i1 to i32
      %cond3A_107 = arith.constant 0 : i32
      %cond3A_108 = arith.cmpi ne, %convert_element_type3A_106, %cond3A_107 : i32
      scf.if %cond3A_108 {
        %dma_wait3A_155 = arith.constant 0 : i32
        %dma_wait3A_156 = arith.constant 0 : i32
        %dma_wait3A_157 = arith.constant 0 : i32
        %dma_wait3A_158 = tpu.memref_slice %arg4[%dma_wait3A_155, %dma_wait3A_156, %dma_wait3A_157] : memref<4096x200x100xf32, #tpu.memory_space<hbm>> -> memref<1x200x100xf32, #tpu.memory_space<hbm>>
        %dma_wait3A_159 = arith.constant 0 : i32
        %dma_wait3A_160 = arith.constant 0 : i32
        %dma_wait3A_161 = arith.constant 0 : i32
        %dma_wait3A_162 = tpu.memref_slice %arg4[%dma_wait3A_159, %dma_wait3A_160, %dma_wait3A_161] : memref<4096x200x100xf32, #tpu.memory_space<hbm>> -> memref<1x200x100xf32, #tpu.memory_space<hbm>>
        tpu.wait_dma2 semaphore(%arg12 : memref<!tpu.dma_semaphore, #tpu.memory_space<semaphore_mem>>) src(%arg8 : memref<1x200x100xf32, #tpu.memory_space<vmem>>) dst(%dma_wait3A_162 : memref<1x200x100xf32, #tpu.memory_space<hbm>>)
      } else {
      }
      %scan3A_109 = arith.constant 0 : i32
      %scan3A_110 = arith.constant 0 : i32
      %scan3A_111 = arith.constant 200 : i32
      %scan3A_112 = arith.addi %scan3A_110, %scan3A_111 : i32
      %scan3A_113 = arith.constant 1 : i32
      scf.for %scan3A_155 = %scan3A_110 to %scan3A_112 step %scan3A_113  : i32 {
        %get3A = arith.index_cast %scan3A_155 : i32 to index
        %get3A_156 = arith.constant 0 : index
        %get3A_157 = tpu.vector_load %arg6[%get3A, %get3A_156] {strides = array<i32>} : memref<200x128xf32, #tpu.memory_space<vmem>>, vector<1x16xf32>,
        %get3A_158 = vector.shape_cast %get3A_157 : vector<1x16xf32> to vector<16xf32>
        %swap3A = arith.constant 0 : i32
        %swap3A_159 = arith.index_cast %swap3A : i32 to index
        %swap3A_160 = arith.index_cast %scan3A_155 : i32 to index
        %swap3A_161 = arith.constant 0 : index
        %swap3A_162 = tpu.vector_load %arg8[%swap3A_159, %swap3A_160, %swap3A_161] {strides = array<i32>} : memref<1x200x100xf32, #tpu.memory_space<vmem>>, vector<1x1x16xf32>,
        %swap3A_163 = vector.shape_cast %swap3A_162 : vector<1x1x16xf32> to vector<16xf32>
        %swap3A_164 = vector.shape_cast %get3A_158 : vector<16xf32> to vector<1x1x16xf32>
        tpu.vector_store %arg8[%swap3A_159, %swap3A_160, %swap3A_161], %swap3A_164 {strides = array<i32>} : memref<1x200x100xf32, #tpu.memory_space<vmem>>, vector<1x1x16xf32>,
        %get3A_165 = arith.index_cast %scan3A_155 : i32 to index
        %get3A_166 = arith.constant 16 : index
        %get3A_167 = tpu.vector_load %arg6[%get3A_165, %get3A_166] {strides = array<i32>} : memref<200x128xf32, #tpu.memory_space<vmem>>, vector<1x16xf32>,
        %get3A_168 = vector.shape_cast %get3A_167 : vector<1x16xf32> to vector<16xf32>
        %swap3A_169 = arith.constant 0 : i32
        %swap3A_170 = arith.index_cast %swap3A_169 : i32 to index
        %swap3A_171 = arith.index_cast %scan3A_155 : i32 to index
        %swap3A_172 = arith.constant 16 : index
        %swap3A_173 = tpu.vector_load %arg8[%swap3A_170, %swap3A_171, %swap3A_172] {strides = array<i32>} : memref<1x200x100xf32, #tpu.memory_space<vmem>>, vector<1x1x16xf32>,
        %swap3A_174 = vector.shape_cast %swap3A_173 : vector<1x1x16xf32> to vector<16xf32>
        %swap3A_175 = vector.shape_cast %get3A_168 : vector<16xf32> to vector<1x1x16xf32>
        tpu.vector_store %arg8[%swap3A_170, %swap3A_171, %swap3A_172], %swap3A_175 {strides = array<i32>} : memref<1x200x100xf32, #tpu.memory_space<vmem>>, vector<1x1x16xf32>,
        %get3A_176 = arith.index_cast %scan3A_155 : i32 to index
        %get3A_177 = arith.constant 32 : index
        %get3A_178 = tpu.vector_load %arg6[%get3A_176, %get3A_177] {strides = array<i32>} : memref<200x128xf32, #tpu.memory_space<vmem>>, vector<1x16xf32>,
        %get3A_179 = vector.shape_cast %get3A_178 : vector<1x16xf32> to vector<16xf32>
        %swap3A_180 = arith.constant 0 : i32
        %swap3A_181 = arith.index_cast %swap3A_180 : i32 to index
        %swap3A_182 = arith.index_cast %scan3A_155 : i32 to index
        %swap3A_183 = arith.constant 32 : index
        %swap3A_184 = tpu.vector_load %arg8[%swap3A_181, %swap3A_182, %swap3A_183] {strides = array<i32>} : memref<1x200x100xf32, #tpu.memory_space<vmem>>, vector<1x1x16xf32>,
        %swap3A_185 = vector.shape_cast %swap3A_184 : vector<1x1x16xf32> to vector<16xf32>
        %swap3A_186 = vector.shape_cast %get3A_179 : vector<16xf32> to vector<1x1x16xf32>
        tpu.vector_store %arg8[%swap3A_181, %swap3A_182, %swap3A_183], %swap3A_186 {strides = array<i32>} : memref<1x200x100xf32, #tpu.memory_space<vmem>>, vector<1x1x16xf32>,
        %get3A_187 = arith.index_cast %scan3A_155 : i32 to index
        %get3A_188 = arith.constant 48 : index
        %get3A_189 = tpu.vector_load %arg6[%get3A_187, %get3A_188] {strides = array<i32>} : memref<200x128xf32, #tpu.memory_space<vmem>>, vector<1x16xf32>,
        %get3A_190 = vector.shape_cast %get3A_189 : vector<1x16xf32> to vector<16xf32>
        %swap3A_191 = arith.constant 0 : i32
        %swap3A_192 = arith.index_cast %swap3A_191 : i32 to index
        %swap3A_193 = arith.index_cast %scan3A_155 : i32 to index
        %swap3A_194 = arith.constant 48 : index
        %swap3A_195 = tpu.vector_load %arg8[%swap3A_192, %swap3A_193, %swap3A_194] {strides = array<i32>} : memref<1x200x100xf32, #tpu.memory_space<vmem>>, vector<1x1x16xf32>,
        %swap3A_196 = vector.shape_cast %swap3A_195 : vector<1x1x16xf32> to vector<16xf32>
        %swap3A_197 = vector.shape_cast %get3A_190 : vector<16xf32> to vector<1x1x16xf32>
        tpu.vector_store %arg8[%swap3A_192, %swap3A_193, %swap3A_194], %swap3A_197 {strides = array<i32>} : memref<1x200x100xf32, #tpu.memory_space<vmem>>, vector<1x1x16xf32>,
        %get3A_198 = arith.index_cast %scan3A_155 : i32 to index
        %get3A_199 = arith.constant 64 : index
        %get3A_200 = tpu.vector_load %arg6[%get3A_198, %get3A_199] {strides = array<i32>} : memref<200x128xf32, #tpu.memory_space<vmem>>, vector<1x16xf32>,
        %get3A_201 = vector.shape_cast %get3A_200 : vector<1x16xf32> to vector<16xf32>
        %swap3A_202 = arith.constant 0 : i32
        %swap3A_203 = arith.index_cast %swap3A_202 : i32 to index
        %swap3A_204 = arith.index_cast %scan3A_155 : i32 to index
        %swap3A_205 = arith.constant 64 : index
        %swap3A_206 = tpu.vector_load %arg8[%swap3A_203, %swap3A_204, %swap3A_205] {strides = array<i32>} : memref<1x200x100xf32, #tpu.memory_space<vmem>>, vector<1x1x16xf32>,
        %swap3A_207 = vector.shape_cast %swap3A_206 : vector<1x1x16xf32> to vector<16xf32>
        %swap3A_208 = vector.shape_cast %get3A_201 : vector<16xf32> to vector<1x1x16xf32>
        tpu.vector_store %arg8[%swap3A_203, %swap3A_204, %swap3A_205], %swap3A_208 {strides = array<i32>} : memref<1x200x100xf32, #tpu.memory_space<vmem>>, vector<1x1x16xf32>,
        %get3A_209 = arith.index_cast %scan3A_155 : i32 to index
        %get3A_210 = arith.constant 80 : index
        %get3A_211 = tpu.vector_load %arg6[%get3A_209, %get3A_210] {strides = array<i32>} : memref<200x128xf32, #tpu.memory_space<vmem>>, vector<1x16xf32>,
        %get3A_212 = vector.shape_cast %get3A_211 : vector<1x16xf32> to vector<16xf32>
        %swap3A_213 = arith.constant 0 : i32
        %swap3A_214 = arith.index_cast %swap3A_213 : i32 to index
        %swap3A_215 = arith.index_cast %scan3A_155 : i32 to index
        %swap3A_216 = arith.constant 80 : index
        %swap3A_217 = tpu.vector_load %arg8[%swap3A_214, %swap3A_215, %swap3A_216] {strides = array<i32>} : memref<1x200x100xf32, #tpu.memory_space<vmem>>, vector<1x1x16xf32>,
        %swap3A_218 = vector.shape_cast %swap3A_217 : vector<1x1x16xf32> to vector<16xf32>
        %swap3A_219 = vector.shape_cast %get3A_212 : vector<16xf32> to vector<1x1x16xf32>
        tpu.vector_store %arg8[%swap3A_214, %swap3A_215, %swap3A_216], %swap3A_219 {strides = array<i32>} : memref<1x200x100xf32, #tpu.memory_space<vmem>>, vector<1x1x16xf32>,
        %get3A_220 = arith.index_cast %scan3A_155 : i32 to index
        %get3A_221 = arith.constant 84 : index
        %get3A_222 = tpu.vector_load %arg6[%get3A_220, %get3A_221] {strides = array<i32>} : memref<200x128xf32, #tpu.memory_space<vmem>>, vector<1x16xf32>,
        %get3A_223 = vector.shape_cast %get3A_222 : vector<1x16xf32> to vector<16xf32>
        %swap3A_224 = arith.constant 0 : i32
        %swap3A_225 = arith.index_cast %swap3A_224 : i32 to index
        %swap3A_226 = arith.index_cast %scan3A_155 : i32 to index
        %swap3A_227 = arith.constant 84 : index
        %swap3A_228 = tpu.vector_load %arg8[%swap3A_225, %swap3A_226, %swap3A_227] {strides = array<i32>} : memref<1x200x100xf32, #tpu.memory_space<vmem>>, vector<1x1x16xf32>,
        %swap3A_229 = vector.shape_cast %swap3A_228 : vector<1x1x16xf32> to vector<16xf32>
        %swap3A_230 = vector.shape_cast %get3A_223 : vector<16xf32> to vector<1x1x16xf32>
        tpu.vector_store %arg8[%swap3A_225, %swap3A_226, %swap3A_227], %swap3A_230 {strides = array<i32>} : memref<1x200x100xf32, #tpu.memory_space<vmem>>, vector<1x1x16xf32>,
      }
      %scan3A_114 = arith.constant 200 : i32
      %add3A_115 = arith.addi %add3A_6, %mul3A_94 : i32
      %dma_start3A_116 = arith.constant 0 : i32
      %dma_start3A_117 = arith.constant 0 : i32
      %dma_start3A_118 = tpu.memref_slice %arg4[%add3A_115, %dma_start3A_116, %dma_start3A_117] : memref<4096x200x100xf32, #tpu.memory_space<hbm>> -> memref<1x200x100xf32, #tpu.memory_space<hbm>>
      %dma_start3A_119 = arith.constant 0 : i32
      %dma_start3A_120 = arith.constant 0 : i32
      %dma_start3A_121 = tpu.memref_slice %arg4[%add3A_115, %dma_start3A_119, %dma_start3A_120] : memref<4096x200x100xf32, #tpu.memory_space<hbm>> -> memref<1x200x100xf32, #tpu.memory_space<hbm>>
      tpu.enqueue_dma source(%arg8 : memref<1x200x100xf32, #tpu.memory_space<vmem>>) target(%dma_start3A_121 : memref<1x200x100xf32, #tpu.memory_space<hbm>>) target_semaphore(%arg12 : memref<!tpu.dma_semaphore, #tpu.memory_space<semaphore_mem>>)
      %add3A_122 = arith.constant 2 : i32
      %add3A_123 = arith.addi %mul3A_94, %add3A_122 : i32
      %lt3A_124 = arith.constant 64 : i32
      %lt3A_125 = arith.cmpi slt, %add3A_123, %lt3A_124 : i32
      %convert_element_type3A_126 = arith.extui %lt3A_125 : i1 to i32
      %cond3A_127 = arith.constant 0 : i32
      %cond3A_128 = arith.cmpi ne, %convert_element_type3A_126, %cond3A_127 : i32
      scf.if %cond3A_128 {
        %add3A_155 = arith.constant 2 : i32
        %add3A_156 = arith.addi %mul3A_94, %add3A_155 : i32
        %dma_start3A_157 = arith.constant 0 : i32
        %dma_start3A_158 = arith.constant 0 : i32
        %dma_start3A_159 = tpu.memref_slice %arg6[%dma_start3A_157, %dma_start3A_158] : memref<200x128xf32, #tpu.memory_space<vmem>> -> memref<128x128xf32, #tpu.memory_space<vmem>>
        %dma_start3A_160 = arith.constant 0 : i32
        %dma_start3A_161 = tpu.memref_slice %arg5[%add3A_156, %dma_start3A_160] : memref<64x200xi32, #tpu.memory_space<vmem>> -> memref<1x128xi32, #tpu.memory_space<vmem>>
        %dma_start3A_162 = tpu.memref_squeeze %dma_start3A_161 : memref<1x128xi32, #tpu.memory_space<vmem>> -> memref<128xi32, #tpu.memory_space<vmem>>
        %dma_start3A_163 = arith.constant 0 : i32
        %dma_start3A_164 = arith.constant 0 : i32
        %dma_start3A_165 = tpu.memref_slice %arg3[%dma_start3A_163, %dma_start3A_164] : memref<100000x128xf32, #tpu.memory_space<hbm>> -> memref<100000x128xf32, #tpu.memory_space<hbm>>
        tpu.enqueue_indirect_dma source(%dma_start3A_165 : memref<100000x128xf32, #tpu.memory_space<hbm>>) target(%dma_start3A_159 : memref<128x128xf32, #tpu.memory_space<vmem>>) offsets(%dma_start3A_162 : memref<128xi32, #tpu.memory_space<vmem>>) semaphore(%arg10 : memref<!tpu.dma_semaphore, #tpu.memory_space<semaphore_mem>>)
        %dma_start3A_166 = arith.constant 128 : i32
        %dma_start3A_167 = arith.constant 0 : i32
        %dma_start3A_168 = tpu.memref_slice %arg6[%dma_start3A_166, %dma_start3A_167] : memref<200x128xf32, #tpu.memory_space<vmem>> -> memref<72x128xf32, #tpu.memory_space<vmem>>
        %dma_start3A_169 = arith.constant 128 : i32
        %dma_start3A_170 = tpu.memref_slice %arg5[%add3A_156, %dma_start3A_169] : memref<64x200xi32, #tpu.memory_space<vmem>> -> memref<1x72xi32, #tpu.memory_space<vmem>>
        %dma_start3A_171 = tpu.memref_squeeze %dma_start3A_170 : memref<1x72xi32, #tpu.memory_space<vmem>> -> memref<72xi32, #tpu.memory_space<vmem>>
        %dma_start3A_172 = arith.constant 0 : i32
        %dma_start3A_173 = arith.constant 0 : i32
        %dma_start3A_174 = tpu.memref_slice %arg3[%dma_start3A_172, %dma_start3A_173] : memref<100000x128xf32, #tpu.memory_space<hbm>> -> memref<100000x128xf32, #tpu.memory_space<hbm>>
        tpu.enqueue_indirect_dma source(%dma_start3A_174 : memref<100000x128xf32, #tpu.memory_space<hbm>>) target(%dma_start3A_168 : memref<72x128xf32, #tpu.memory_space<vmem>>) offsets(%dma_start3A_171 : memref<72xi32, #tpu.memory_space<vmem>>) semaphore(%arg10 : memref<!tpu.dma_semaphore, #tpu.memory_space<semaphore_mem>>)
      } else {
      }
      %dma_wait3A_129 = arith.constant 0 : i32
      %dma_wait3A_130 = arith.constant 0 : i32
      %dma_wait3A_131 = tpu.memref_slice %arg3[%dma_wait3A_129, %dma_wait3A_130] : memref<100000x128xf32, #tpu.memory_space<hbm>> -> memref<200x128xf32, #tpu.memory_space<hbm>>
      %dma_wait3A_132 = arith.constant 0 : i32
      %dma_wait3A_133 = arith.constant 0 : i32
      %dma_wait3A_134 = tpu.memref_slice %arg3[%dma_wait3A_132, %dma_wait3A_133] : memref<100000x128xf32, #tpu.memory_space<hbm>> -> memref<200x128xf32, #tpu.memory_space<hbm>>
      tpu.wait_dma2 semaphore(%arg11 : memref<!tpu.dma_semaphore, #tpu.memory_space<semaphore_mem>>) src(%dma_wait3A_134 : memref<200x128xf32, #tpu.memory_space<hbm>>) dst(%arg7 : memref<200x128xf32, #tpu.memory_space<vmem>>)
      %gt3A_135 = arith.constant 0 : i32
      %gt3A_136 = arith.cmpi sgt, %scan3A_92, %gt3A_135 : i32
      %convert_element_type3A_137 = arith.extui %gt3A_136 : i1 to i32
      %cond3A_138 = arith.constant 0 : i32
      %cond3A_139 = arith.cmpi ne, %convert_element_type3A_137, %cond3A_138 : i32
      scf.if %cond3A_139 {
        %dma_wait3A_155 = arith.constant 0 : i32
        %dma_wait3A_156 = arith.constant 0 : i32
        %dma_wait3A_157 = arith.constant 0 : i32
        %dma_wait3A_158 = tpu.memref_slice %arg4[%dma_wait3A_155, %dma_wait3A_156, %dma_wait3A_157] : memref<4096x200x100xf32, #tpu.memory_space<hbm>> -> memref<1x200x100xf32, #tpu.memory_space<hbm>>
        %dma_wait3A_159 = arith.constant 0 : i32
        %dma_wait3A_160 = arith.constant 0 : i32
        %dma_wait3A_161 = arith.constant 0 : i32
        %dma_wait3A_162 = tpu.memref_slice %arg4[%dma_wait3A_159, %dma_wait3A_160, %dma_wait3A_161] : memref<4096x200x100xf32, #tpu.memory_space<hbm>> -> memref<1x200x100xf32, #tpu.memory_space<hbm>>
        tpu.wait_dma2 semaphore(%arg13 : memref<!tpu.dma_semaphore, #tpu.memory_space<semaphore_mem>>) src(%arg9 : memref<1x200x100xf32, #tpu.memory_space<vmem>>) dst(%dma_wait3A_162 : memref<1x200x100xf32, #tpu.memory_space<hbm>>)
      } else {
      }
      %scan3A_140 = arith.constant 0 : i32
      %scan3A_141 = arith.constant 0 : i32
      %scan3A_142 = arith.constant 200 : i32
      %scan3A_143 = arith.addi %scan3A_141, %scan3A_142 : i32
      %scan3A_144 = arith.constant 1 : i32
      scf.for %scan3A_155 = %scan3A_141 to %scan3A_143 step %scan3A_144  : i32 {
        %get3A = arith.index_cast %scan3A_155 : i32 to index
        %get3A_156 = arith.constant 0 : index
        %get3A_157 = tpu.vector_load %arg7[%get3A, %get3A_156] {strides = array<i32>} : memref<200x128xf32, #tpu.memory_space<vmem>>, vector<1x16xf32>,
        %get3A_158 = vector.shape_cast %get3A_157 : vector<1x16xf32> to vector<16xf32>
        %swap3A = arith.constant 0 : i32
        %swap3A_159 = arith.index_cast %swap3A : i32 to index
        %swap3A_160 = arith.index_cast %scan3A_155 : i32 to index
        %swap3A_161 = arith.constant 0 : index
        %swap3A_162 = tpu.vector_load %arg9[%swap3A_159, %swap3A_160, %swap3A_161] {strides = array<i32>} : memref<1x200x100xf32, #tpu.memory_space<vmem>>, vector<1x1x16xf32>,
        %swap3A_163 = vector.shape_cast %swap3A_162 : vector<1x1x16xf32> to vector<16xf32>
        %swap3A_164 = vector.shape_cast %get3A_158 : vector<16xf32> to vector<1x1x16xf32>
        tpu.vector_store %arg9[%swap3A_159, %swap3A_160, %swap3A_161], %swap3A_164 {strides = array<i32>} : memref<1x200x100xf32, #tpu.memory_space<vmem>>, vector<1x1x16xf32>,
        %get3A_165 = arith.index_cast %scan3A_155 : i32 to index
        %get3A_166 = arith.constant 16 : index
        %get3A_167 = tpu.vector_load %arg7[%get3A_165, %get3A_166] {strides = array<i32>} : memref<200x128xf32, #tpu.memory_space<vmem>>, vector<1x16xf32>,
        %get3A_168 = vector.shape_cast %get3A_167 : vector<1x16xf32> to vector<16xf32>
        %swap3A_169 = arith.constant 0 : i32
        %swap3A_170 = arith.index_cast %swap3A_169 : i32 to index
        %swap3A_171 = arith.index_cast %scan3A_155 : i32 to index
        %swap3A_172 = arith.constant 16 : index
        %swap3A_173 = tpu.vector_load %arg9[%swap3A_170, %swap3A_171, %swap3A_172] {strides = array<i32>} : memref<1x200x100xf32, #tpu.memory_space<vmem>>, vector<1x1x16xf32>,
        %swap3A_174 = vector.shape_cast %swap3A_173 : vector<1x1x16xf32> to vector<16xf32>
        %swap3A_175 = vector.shape_cast %get3A_168 : vector<16xf32> to vector<1x1x16xf32>
        tpu.vector_store %arg9[%swap3A_170, %swap3A_171, %swap3A_172], %swap3A_175 {strides = array<i32>} : memref<1x200x100xf32, #tpu.memory_space<vmem>>, vector<1x1x16xf32>,
        %get3A_176 = arith.index_cast %scan3A_155 : i32 to index
        %get3A_177 = arith.constant 32 : index
        %get3A_178 = tpu.vector_load %arg7[%get3A_176, %get3A_177] {strides = array<i32>} : memref<200x128xf32, #tpu.memory_space<vmem>>, vector<1x16xf32>,
        %get3A_179 = vector.shape_cast %get3A_178 : vector<1x16xf32> to vector<16xf32>
        %swap3A_180 = arith.constant 0 : i32
        %swap3A_181 = arith.index_cast %swap3A_180 : i32 to index
        %swap3A_182 = arith.index_cast %scan3A_155 : i32 to index
        %swap3A_183 = arith.constant 32 : index
        %swap3A_184 = tpu.vector_load %arg9[%swap3A_181, %swap3A_182, %swap3A_183] {strides = array<i32>} : memref<1x200x100xf32, #tpu.memory_space<vmem>>, vector<1x1x16xf32>,
        %swap3A_185 = vector.shape_cast %swap3A_184 : vector<1x1x16xf32> to vector<16xf32>
        %swap3A_186 = vector.shape_cast %get3A_179 : vector<16xf32> to vector<1x1x16xf32>
        tpu.vector_store %arg9[%swap3A_181, %swap3A_182, %swap3A_183], %swap3A_186 {strides = array<i32>} : memref<1x200x100xf32, #tpu.memory_space<vmem>>, vector<1x1x16xf32>,
        %get3A_187 = arith.index_cast %scan3A_155 : i32 to index
        %get3A_188 = arith.constant 48 : index
        %get3A_189 = tpu.vector_load %arg7[%get3A_187, %get3A_188] {strides = array<i32>} : memref<200x128xf32, #tpu.memory_space<vmem>>, vector<1x16xf32>,
        %get3A_190 = vector.shape_cast %get3A_189 : vector<1x16xf32> to vector<16xf32>
        %swap3A_191 = arith.constant 0 : i32
        %swap3A_192 = arith.index_cast %swap3A_191 : i32 to index
        %swap3A_193 = arith.index_cast %scan3A_155 : i32 to index
        %swap3A_194 = arith.constant 48 : index
        %swap3A_195 = tpu.vector_load %arg9[%swap3A_192, %swap3A_193, %swap3A_194] {strides = array<i32>} : memref<1x200x100xf32, #tpu.memory_space<vmem>>, vector<1x1x16xf32>,
        %swap3A_196 = vector.shape_cast %swap3A_195 : vector<1x1x16xf32> to vector<16xf32>
        %swap3A_197 = vector.shape_cast %get3A_190 : vector<16xf32> to vector<1x1x16xf32>
        tpu.vector_store %arg9[%swap3A_192, %swap3A_193, %swap3A_194], %swap3A_197 {strides = array<i32>} : memref<1x200x100xf32, #tpu.memory_space<vmem>>, vector<1x1x16xf32>,
        %get3A_198 = arith.index_cast %scan3A_155 : i32 to index
        %get3A_199 = arith.constant 64 : index
        %get3A_200 = tpu.vector_load %arg7[%get3A_198, %get3A_199] {strides = array<i32>} : memref<200x128xf32, #tpu.memory_space<vmem>>, vector<1x16xf32>,
        %get3A_201 = vector.shape_cast %get3A_200 : vector<1x16xf32> to vector<16xf32>
        %swap3A_202 = arith.constant 0 : i32
        %swap3A_203 = arith.index_cast %swap3A_202 : i32 to index
        %swap3A_204 = arith.index_cast %scan3A_155 : i32 to index
        %swap3A_205 = arith.constant 64 : index
        %swap3A_206 = tpu.vector_load %arg9[%swap3A_203, %swap3A_204, %swap3A_205] {strides = array<i32>} : memref<1x200x100xf32, #tpu.memory_space<vmem>>, vector<1x1x16xf32>,
        %swap3A_207 = vector.shape_cast %swap3A_206 : vector<1x1x16xf32> to vector<16xf32>
        %swap3A_208 = vector.shape_cast %get3A_201 : vector<16xf32> to vector<1x1x16xf32>
        tpu.vector_store %arg9[%swap3A_203, %swap3A_204, %swap3A_205], %swap3A_208 {strides = array<i32>} : memref<1x200x100xf32, #tpu.memory_space<vmem>>, vector<1x1x16xf32>,
        %get3A_209 = arith.index_cast %scan3A_155 : i32 to index
        %get3A_210 = arith.constant 80 : index
        %get3A_211 = tpu.vector_load %arg7[%get3A_209, %get3A_210] {strides = array<i32>} : memref<200x128xf32, #tpu.memory_space<vmem>>, vector<1x16xf32>,
        %get3A_212 = vector.shape_cast %get3A_211 : vector<1x16xf32> to vector<16xf32>
        %swap3A_213 = arith.constant 0 : i32
        %swap3A_214 = arith.index_cast %swap3A_213 : i32 to index
        %swap3A_215 = arith.index_cast %scan3A_155 : i32 to index
        %swap3A_216 = arith.constant 80 : index
        %swap3A_217 = tpu.vector_load %arg9[%swap3A_214, %swap3A_215, %swap3A_216] {strides = array<i32>} : memref<1x200x100xf32, #tpu.memory_space<vmem>>, vector<1x1x16xf32>,
        %swap3A_218 = vector.shape_cast %swap3A_217 : vector<1x1x16xf32> to vector<16xf32>
        %swap3A_219 = vector.shape_cast %get3A_212 : vector<16xf32> to vector<1x1x16xf32>
        tpu.vector_store %arg9[%swap3A_214, %swap3A_215, %swap3A_216], %swap3A_219 {strides = array<i32>} : memref<1x200x100xf32, #tpu.memory_space<vmem>>, vector<1x1x16xf32>,
        %get3A_220 = arith.index_cast %scan3A_155 : i32 to index
        %get3A_221 = arith.constant 84 : index
        %get3A_222 = tpu.vector_load %arg7[%get3A_220, %get3A_221] {strides = array<i32>} : memref<200x128xf32, #tpu.memory_space<vmem>>, vector<1x16xf32>,
        %get3A_223 = vector.shape_cast %get3A_222 : vector<1x16xf32> to vector<16xf32>
        %swap3A_224 = arith.constant 0 : i32
        %swap3A_225 = arith.index_cast %swap3A_224 : i32 to index
        %swap3A_226 = arith.index_cast %scan3A_155 : i32 to index
        %swap3A_227 = arith.constant 84 : index
        %swap3A_228 = tpu.vector_load %arg9[%swap3A_225, %swap3A_226, %swap3A_227] {strides = array<i32>} : memref<1x200x100xf32, #tpu.memory_space<vmem>>, vector<1x1x16xf32>,
        %swap3A_229 = vector.shape_cast %swap3A_228 : vector<1x1x16xf32> to vector<16xf32>
        %swap3A_230 = vector.shape_cast %get3A_223 : vector<16xf32> to vector<1x1x16xf32>
        tpu.vector_store %arg9[%swap3A_225, %swap3A_226, %swap3A_227], %swap3A_230 {strides = array<i32>} : memref<1x200x100xf32, #tpu.memory_space<vmem>>, vector<1x1x16xf32>,
      }
      %scan3A_145 = arith.constant 200 : i32
      %add3A_146 = arith.addi %add3A_6, %mul3A_94 : i32
      %add3A_147 = arith.constant 1 : i32
      %add3A_148 = arith.addi %add3A_146, %add3A_147 : i32
      %dma_start3A_149 = arith.constant 0 : i32
      %dma_start3A_150 = arith.constant 0 : i32
      %dma_start3A_151 = tpu.memref_slice %arg4[%add3A_148, %dma_start3A_149, %dma_start3A_150] : memref<4096x200x100xf32, #tpu.memory_space<hbm>> -> memref<1x200x100xf32, #tpu.memory_space<hbm>>
      %dma_start3A_152 = arith.constant 0 : i32
      %dma_start3A_153 = arith.constant 0 : i32
      %dma_start3A_154 = tpu.memref_slice %arg4[%add3A_148, %dma_start3A_152, %dma_start3A_153] : memref<4096x200x100xf32, #tpu.memory_space<hbm>> -> memref<1x200x100xf32, #tpu.memory_space<hbm>>
      tpu.enqueue_dma source(%arg9 : memref<1x200x100xf32, #tpu.memory_space<vmem>>) target(%dma_start3A_154 : memref<1x200x100xf32, #tpu.memory_space<hbm>>) target_semaphore(%arg13 : memref<!tpu.dma_semaphore, #tpu.memory_space<semaphore_mem>>)
    }
    %scan3A_30 = arith.constant 32 : i32
    %dma_wait3A = arith.constant 0 : i32
    %dma_wait3A_31 = arith.constant 0 : i32
    %dma_wait3A_32 = arith.constant 0 : i32
    %dma_wait3A_33 = tpu.memref_slice %arg4[%dma_wait3A, %dma_wait3A_31, %dma_wait3A_32] : memref<4096x200x100xf32, #tpu.memory_space<hbm>> -> memref<1x200x100xf32, #tpu.memory_space<hbm>>
    %dma_wait3A_34 = arith.constant 0 : i32
    %dma_wait3A_35 = arith.constant 0 : i32
    %dma_wait3A_36 = arith.constant 0 : i32
    %dma_wait3A_37 = tpu.memref_slice %arg4[%dma_wait3A_34, %dma_wait3A_35, %dma_wait3A_36] : memref<4096x200x100xf32, #tpu.memory_space<hbm>> -> memref<1x200x100xf32, #tpu.memory_space<hbm>>
    tpu.wait_dma2 semaphore(%arg12 : memref<!tpu.dma_semaphore, #tpu.memory_space<semaphore_mem>>) src(%arg8 : memref<1x200x100xf32, #tpu.memory_space<vmem>>) dst(%dma_wait3A_37 : memref<1x200x100xf32, #tpu.memory_space<hbm>>)
    %dma_wait3A_38 = arith.constant 0 : i32
    %dma_wait3A_39 = arith.constant 0 : i32
    %dma_wait3A_40 = arith.constant 0 : i32
    %dma_wait3A_41 = tpu.memref_slice %arg4[%dma_wait3A_38, %dma_wait3A_39, %dma_wait3A_40] : memref<4096x200x100xf32, #tpu.memory_space<hbm>> -> memref<1x200x100xf32, #tpu.memory_space<hbm>>
    %dma_wait3A_42 = arith.constant 0 : i32
    %dma_wait3A_43 = arith.constant 0 : i32
    %dma_wait3A_44 = arith.constant 0 : i32
    %dma_wait3A_45 = tpu.memref_slice %arg4[%dma_wait3A_42, %dma_wait3A_43, %dma_wait3A_44] : memref<4096x200x100xf32, #tpu.memory_space<hbm>> -> memref<1x200x100xf32, #tpu.memory_space<hbm>>
    tpu.wait_dma2 semaphore(%arg13 : memref<!tpu.dma_semaphore, #tpu.memory_space<semaphore_mem>>) src(%arg9 : memref<1x200x100xf32, #tpu.memory_space<vmem>>) dst(%dma_wait3A_45 : memref<1x200x100xf32, #tpu.memory_space<hbm>>)
    %add3A_46 = arith.constant 64 : i32
    %add3A_47 = arith.addi %mul3A_2, %add3A_46 : i32
    "tpu.region"() ({
      %run_scoped3A = tpu.sem_alloc : memref<!tpu.dma_semaphore, #tpu.memory_space<semaphore_mem>>
      %dma_start3A_92 = arith.constant 0 : i32
      %dma_start3A_93 = tpu.memref_slice %arg2[%add3A_47, %dma_start3A_92] : memref<4096x200xi32, #tpu.memory_space<hbm>> -> memref<64x200xi32, #tpu.memory_space<hbm>>
      %dma_start3A_94 = arith.constant 0 : i32
      %dma_start3A_95 = tpu.memref_slice %arg2[%add3A_47, %dma_start3A_94] : memref<4096x200xi32, #tpu.memory_space<hbm>> -> memref<64x200xi32, #tpu.memory_space<hbm>>
      tpu.enqueue_dma source(%dma_start3A_95 : memref<64x200xi32, #tpu.memory_space<hbm>>) target(%arg5 : memref<64x200xi32, #tpu.memory_space<vmem>>) target_semaphore(%run_scoped3A : memref<!tpu.dma_semaphore, #tpu.memory_space<semaphore_mem>>)
      %dma_wait3A_96 = arith.constant 0 : i32
      %dma_wait3A_97 = tpu.memref_slice %arg2[%add3A_47, %dma_wait3A_96] : memref<4096x200xi32, #tpu.memory_space<hbm>> -> memref<64x200xi32, #tpu.memory_space<hbm>>
      %dma_wait3A_98 = arith.constant 0 : i32
      %dma_wait3A_99 = tpu.memref_slice %arg2[%add3A_47, %dma_wait3A_98] : memref<4096x200xi32, #tpu.memory_space<hbm>> -> memref<64x200xi32, #tpu.memory_space<hbm>>
      tpu.wait_dma2 semaphore(%run_scoped3A : memref<!tpu.dma_semaphore, #tpu.memory_space<semaphore_mem>>) src(%dma_wait3A_99 : memref<64x200xi32, #tpu.memory_space<hbm>>) dst(%arg5 : memref<64x200xi32, #tpu.memory_space<vmem>>)
      tpu.yield
    }) : () -> ()
    %add3A_48 = arith.constant 64 : i32
    %add3A_49 = arith.addi %mul3A_2, %add3A_48 : i32
    %dma_start3A_50 = arith.constant 0 : i32
    %dma_start3A_51 = arith.constant 0 : i32
    %dma_start3A_52 = arith.constant 0 : i32
    %dma_start3A_53 = tpu.memref_slice %arg6[%dma_start3A_51, %dma_start3A_52] : memref<200x128xf32, #tpu.memory_space<vmem>> -> memref<128x128xf32, #tpu.memory_space<vmem>>
    %dma_start3A_54 = arith.constant 0 : i32
    %dma_start3A_55 = tpu.memref_slice %arg5[%dma_start3A_50, %dma_start3A_54] : memref<64x200xi32, #tpu.memory_space<vmem>> -> memref<1x128xi32, #tpu.memory_space<vmem>>
    %dma_start3A_56 = tpu.memref_squeeze %dma_start3A_55 : memref<1x128xi32, #tpu.memory_space<vmem>> -> memref<128xi32, #tpu.memory_space<vmem>>
    %dma_start3A_57 = arith.constant 0 : i32
    %dma_start3A_58 = arith.constant 0 : i32
    %dma_start3A_59 = tpu.memref_slice %arg3[%dma_start3A_57, %dma_start3A_58] : memref<100000x128xf32, #tpu.memory_space<hbm>> -> memref<100000x128xf32, #tpu.memory_space<hbm>>
    tpu.enqueue_indirect_dma source(%dma_start3A_59 : memref<100000x128xf32, #tpu.memory_space<hbm>>) target(%dma_start3A_53 : memref<128x128xf32, #tpu.memory_space<vmem>>) offsets(%dma_start3A_56 : memref<128xi32, #tpu.memory_space<vmem>>) semaphore(%arg10 : memref<!tpu.dma_semaphore, #tpu.memory_space<semaphore_mem>>)
    %dma_start3A_60 = arith.constant 0 : i32
    %dma_start3A_61 = arith.constant 128 : i32
    %dma_start3A_62 = arith.constant 0 : i32
    %dma_start3A_63 = tpu.memref_slice %arg6[%dma_start3A_61, %dma_start3A_62] : memref<200x128xf32, #tpu.memory_space<vmem>> -> memref<72x128xf32, #tpu.memory_space<vmem>>
    %dma_start3A_64 = arith.constant 128 : i32
    %dma_start3A_65 = tpu.memref_slice %arg5[%dma_start3A_60, %dma_start3A_64] : memref<64x200xi32, #tpu.memory_space<vmem>> -> memref<1x72xi32, #tpu.memory_space<vmem>>
    %dma_start3A_66 = tpu.memref_squeeze %dma_start3A_65 : memref<1x72xi32, #tpu.memory_space<vmem>> -> memref<72xi32, #tpu.memory_space<vmem>>
    %dma_start3A_67 = arith.constant 0 : i32
    %dma_start3A_68 = arith.constant 0 : i32
    %dma_start3A_69 = tpu.memref_slice %arg3[%dma_start3A_67, %dma_start3A_68] : memref<100000x128xf32, #tpu.memory_space<hbm>> -> memref<100000x128xf32, #tpu.memory_space<hbm>>
    tpu.enqueue_indirect_dma source(%dma_start3A_69 : memref<100000x128xf32, #tpu.memory_space<hbm>>) target(%dma_start3A_63 : memref<72x128xf32, #tpu.memory_space<vmem>>) offsets(%dma_start3A_66 : memref<72xi32, #tpu.memory_space<vmem>>) semaphore(%arg10 : memref<!tpu.dma_semaphore, #tpu.memory_space<semaphore_mem>>)
    %scan3A_70 = arith.constant 0 : i32
    %scan3A_71 = arith.constant 0 : i32
    %scan3A_72 = arith.constant 32 : i32
    %scan3A_73 = arith.addi %scan3A_71, %scan3A_72 : i32
    %scan3A_74 = arith.constant 1 : i32
    scf.for %scan3A_92 = %scan3A_71 to %scan3A_73 step %scan3A_74  : i32 {
      %mul3A_93 = arith.constant 2 : i32
      %mul3A_94 = arith.muli %mul3A_93, %scan3A_92 : i32
      %add3A_95 = arith.constant 1 : i32
      %add3A_96 = arith.addi %mul3A_94, %add3A_95 : i32
      %lt3A = arith.constant 64 : i32
      %lt3A_97 = arith.cmpi slt, %add3A_96, %lt3A : i32
      %convert_element_type3A = arith.extui %lt3A_97 : i1 to i32
      %cond3A = arith.constant 0 : i32
      %cond3A_98 = arith.cmpi ne, %convert_element_type3A, %cond3A : i32
      scf.if %cond3A_98 {
        %add3A_155 = arith.constant 1 : i32
        %add3A_156 = arith.addi %mul3A_94, %add3A_155 : i32
        %dma_start3A_157 = arith.constant 0 : i32
        %dma_start3A_158 = arith.constant 0 : i32
        %dma_start3A_159 = tpu.memref_slice %arg7[%dma_start3A_157, %dma_start3A_158] : memref<200x128xf32, #tpu.memory_space<vmem>> -> memref<128x128xf32, #tpu.memory_space<vmem>>
        %dma_start3A_160 = arith.constant 0 : i32
        %dma_start3A_161 = tpu.memref_slice %arg5[%add3A_156, %dma_start3A_160] : memref<64x200xi32, #tpu.memory_space<vmem>> -> memref<1x128xi32, #tpu.memory_space<vmem>>
        %dma_start3A_162 = tpu.memref_squeeze %dma_start3A_161 : memref<1x128xi32, #tpu.memory_space<vmem>> -> memref<128xi32, #tpu.memory_space<vmem>>
        %dma_start3A_163 = arith.constant 0 : i32
        %dma_start3A_164 = arith.constant 0 : i32
        %dma_start3A_165 = tpu.memref_slice %arg3[%dma_start3A_163, %dma_start3A_164] : memref<100000x128xf32, #tpu.memory_space<hbm>> -> memref<100000x128xf32, #tpu.memory_space<hbm>>
        tpu.enqueue_indirect_dma source(%dma_start3A_165 : memref<100000x128xf32, #tpu.memory_space<hbm>>) target(%dma_start3A_159 : memref<128x128xf32, #tpu.memory_space<vmem>>) offsets(%dma_start3A_162 : memref<128xi32, #tpu.memory_space<vmem>>) semaphore(%arg11 : memref<!tpu.dma_semaphore, #tpu.memory_space<semaphore_mem>>)
        %dma_start3A_166 = arith.constant 128 : i32
        %dma_start3A_167 = arith.constant 0 : i32
        %dma_start3A_168 = tpu.memref_slice %arg7[%dma_start3A_166, %dma_start3A_167] : memref<200x128xf32, #tpu.memory_space<vmem>> -> memref<72x128xf32, #tpu.memory_space<vmem>>
        %dma_start3A_169 = arith.constant 128 : i32
        %dma_start3A_170 = tpu.memref_slice %arg5[%add3A_156, %dma_start3A_169] : memref<64x200xi32, #tpu.memory_space<vmem>> -> memref<1x72xi32, #tpu.memory_space<vmem>>
        %dma_start3A_171 = tpu.memref_squeeze %dma_start3A_170 : memref<1x72xi32, #tpu.memory_space<vmem>> -> memref<72xi32, #tpu.memory_space<vmem>>
        %dma_start3A_172 = arith.constant 0 : i32
        %dma_start3A_173 = arith.constant 0 : i32
        %dma_start3A_174 = tpu.memref_slice %arg3[%dma_start3A_172, %dma_start3A_173] : memref<100000x128xf32, #tpu.memory_space<hbm>> -> memref<100000x128xf32, #tpu.memory_space<hbm>>
        tpu.enqueue_indirect_dma source(%dma_start3A_174 : memref<100000x128xf32, #tpu.memory_space<hbm>>) target(%dma_start3A_168 : memref<72x128xf32, #tpu.memory_space<vmem>>) offsets(%dma_start3A_171 : memref<72xi32, #tpu.memory_space<vmem>>) semaphore(%arg11 : memref<!tpu.dma_semaphore, #tpu.memory_space<semaphore_mem>>)
      } else {
      }
      %dma_wait3A_99 = arith.constant 0 : i32
      %dma_wait3A_100 = arith.constant 0 : i32
      %dma_wait3A_101 = tpu.memref_slice %arg3[%dma_wait3A_99, %dma_wait3A_100] : memref<100000x128xf32, #tpu.memory_space<hbm>> -> memref<200x128xf32, #tpu.memory_space<hbm>>
      %dma_wait3A_102 = arith.constant 0 : i32
      %dma_wait3A_103 = arith.constant 0 : i32
      %dma_wait3A_104 = tpu.memref_slice %arg3[%dma_wait3A_102, %dma_wait3A_103] : memref<100000x128xf32, #tpu.memory_space<hbm>> -> memref<200x128xf32, #tpu.memory_space<hbm>>
      tpu.wait_dma2 semaphore(%arg10 : memref<!tpu.dma_semaphore, #tpu.memory_space<semaphore_mem>>) src(%dma_wait3A_104 : memref<200x128xf32, #tpu.memory_space<hbm>>) dst(%arg6 : memref<200x128xf32, #tpu.memory_space<vmem>>)
      %gt3A = arith.constant 0 : i32
      %gt3A_105 = arith.cmpi sgt, %scan3A_92, %gt3A : i32
      %convert_element_type3A_106 = arith.extui %gt3A_105 : i1 to i32
      %cond3A_107 = arith.constant 0 : i32
      %cond3A_108 = arith.cmpi ne, %convert_element_type3A_106, %cond3A_107 : i32
      scf.if %cond3A_108 {
        %dma_wait3A_155 = arith.constant 0 : i32
        %dma_wait3A_156 = arith.constant 0 : i32
        %dma_wait3A_157 = arith.constant 0 : i32
        %dma_wait3A_158 = tpu.memref_slice %arg4[%dma_wait3A_155, %dma_wait3A_156, %dma_wait3A_157] : memref<4096x200x100xf32, #tpu.memory_space<hbm>> -> memref<1x200x100xf32, #tpu.memory_space<hbm>>
        %dma_wait3A_159 = arith.constant 0 : i32
        %dma_wait3A_160 = arith.constant 0 : i32
        %dma_wait3A_161 = arith.constant 0 : i32
        %dma_wait3A_162 = tpu.memref_slice %arg4[%dma_wait3A_159, %dma_wait3A_160, %dma_wait3A_161] : memref<4096x200x100xf32, #tpu.memory_space<hbm>> -> memref<1x200x100xf32, #tpu.memory_space<hbm>>
        tpu.wait_dma2 semaphore(%arg12 : memref<!tpu.dma_semaphore, #tpu.memory_space<semaphore_mem>>) src(%arg8 : memref<1x200x100xf32, #tpu.memory_space<vmem>>) dst(%dma_wait3A_162 : memref<1x200x100xf32, #tpu.memory_space<hbm>>)
      } else {
      }
      %scan3A_109 = arith.constant 0 : i32
      %scan3A_110 = arith.constant 0 : i32
      %scan3A_111 = arith.constant 200 : i32
      %scan3A_112 = arith.addi %scan3A_110, %scan3A_111 : i32
      %scan3A_113 = arith.constant 1 : i32
      scf.for %scan3A_155 = %scan3A_110 to %scan3A_112 step %scan3A_113  : i32 {
        %get3A = arith.index_cast %scan3A_155 : i32 to index
        %get3A_156 = arith.constant 0 : index
        %get3A_157 = tpu.vector_load %arg6[%get3A, %get3A_156] {strides = array<i32>} : memref<200x128xf32, #tpu.memory_space<vmem>>, vector<1x16xf32>,
        %get3A_158 = vector.shape_cast %get3A_157 : vector<1x16xf32> to vector<16xf32>
        %swap3A = arith.constant 0 : i32
        %swap3A_159 = arith.index_cast %swap3A : i32 to index
        %swap3A_160 = arith.index_cast %scan3A_155 : i32 to index
        %swap3A_161 = arith.constant 0 : index
        %swap3A_162 = tpu.vector_load %arg8[%swap3A_159, %swap3A_160, %swap3A_161] {strides = array<i32>} : memref<1x200x100xf32, #tpu.memory_space<vmem>>, vector<1x1x16xf32>,
        %swap3A_163 = vector.shape_cast %swap3A_162 : vector<1x1x16xf32> to vector<16xf32>
        %swap3A_164 = vector.shape_cast %get3A_158 : vector<16xf32> to vector<1x1x16xf32>
        tpu.vector_store %arg8[%swap3A_159, %swap3A_160, %swap3A_161], %swap3A_164 {strides = array<i32>} : memref<1x200x100xf32, #tpu.memory_space<vmem>>, vector<1x1x16xf32>,
        %get3A_165 = arith.index_cast %scan3A_155 : i32 to index
        %get3A_166 = arith.constant 16 : index
        %get3A_167 = tpu.vector_load %arg6[%get3A_165, %get3A_166] {strides = array<i32>} : memref<200x128xf32, #tpu.memory_space<vmem>>, vector<1x16xf32>,
        %get3A_168 = vector.shape_cast %get3A_167 : vector<1x16xf32> to vector<16xf32>
        %swap3A_169 = arith.constant 0 : i32
        %swap3A_170 = arith.index_cast %swap3A_169 : i32 to index
        %swap3A_171 = arith.index_cast %scan3A_155 : i32 to index
        %swap3A_172 = arith.constant 16 : index
        %swap3A_173 = tpu.vector_load %arg8[%swap3A_170, %swap3A_171, %swap3A_172] {strides = array<i32>} : memref<1x200x100xf32, #tpu.memory_space<vmem>>, vector<1x1x16xf32>,
        %swap3A_174 = vector.shape_cast %swap3A_173 : vector<1x1x16xf32> to vector<16xf32>
        %swap3A_175 = vector.shape_cast %get3A_168 : vector<16xf32> to vector<1x1x16xf32>
        tpu.vector_store %arg8[%swap3A_170, %swap3A_171, %swap3A_172], %swap3A_175 {strides = array<i32>} : memref<1x200x100xf32, #tpu.memory_space<vmem>>, vector<1x1x16xf32>,
        %get3A_176 = arith.index_cast %scan3A_155 : i32 to index
        %get3A_177 = arith.constant 32 : index
        %get3A_178 = tpu.vector_load %arg6[%get3A_176, %get3A_177] {strides = array<i32>} : memref<200x128xf32, #tpu.memory_space<vmem>>, vector<1x16xf32>,
        %get3A_179 = vector.shape_cast %get3A_178 : vector<1x16xf32> to vector<16xf32>
        %swap3A_180 = arith.constant 0 : i32
        %swap3A_181 = arith.index_cast %swap3A_180 : i32 to index
        %swap3A_182 = arith.index_cast %scan3A_155 : i32 to index
        %swap3A_183 = arith.constant 32 : index
        %swap3A_184 = tpu.vector_load %arg8[%swap3A_181, %swap3A_182, %swap3A_183] {strides = array<i32>} : memref<1x200x100xf32, #tpu.memory_space<vmem>>, vector<1x1x16xf32>,
        %swap3A_185 = vector.shape_cast %swap3A_184 : vector<1x1x16xf32> to vector<16xf32>
        %swap3A_186 = vector.shape_cast %get3A_179 : vector<16xf32> to vector<1x1x16xf32>
        tpu.vector_store %arg8[%swap3A_181, %swap3A_182, %swap3A_183], %swap3A_186 {strides = array<i32>} : memref<1x200x100xf32, #tpu.memory_space<vmem>>, vector<1x1x16xf32>,
        %get3A_187 = arith.index_cast %scan3A_155 : i32 to index
        %get3A_188 = arith.constant 48 : index
        %get3A_189 = tpu.vector_load %arg6[%get3A_187, %get3A_188] {strides = array<i32>} : memref<200x128xf32, #tpu.memory_space<vmem>>, vector<1x16xf32>,
        %get3A_190 = vector.shape_cast %get3A_189 : vector<1x16xf32> to vector<16xf32>
        %swap3A_191 = arith.constant 0 : i32
        %swap3A_192 = arith.index_cast %swap3A_191 : i32 to index
        %swap3A_193 = arith.index_cast %scan3A_155 : i32 to index
        %swap3A_194 = arith.constant 48 : index
        %swap3A_195 = tpu.vector_load %arg8[%swap3A_192, %swap3A_193, %swap3A_194] {strides = array<i32>} : memref<1x200x100xf32, #tpu.memory_space<vmem>>, vector<1x1x16xf32>,
        %swap3A_196 = vector.shape_cast %swap3A_195 : vector<1x1x16xf32> to vector<16xf32>
        %swap3A_197 = vector.shape_cast %get3A_190 : vector<16xf32> to vector<1x1x16xf32>
        tpu.vector_store %arg8[%swap3A_192, %swap3A_193, %swap3A_194], %swap3A_197 {strides = array<i32>} : memref<1x200x100xf32, #tpu.memory_space<vmem>>, vector<1x1x16xf32>,
        %get3A_198 = arith.index_cast %scan3A_155 : i32 to index
        %get3A_199 = arith.constant 64 : index
        %get3A_200 = tpu.vector_load %arg6[%get3A_198, %get3A_199] {strides = array<i32>} : memref<200x128xf32, #tpu.memory_space<vmem>>, vector<1x16xf32>,
        %get3A_201 = vector.shape_cast %get3A_200 : vector<1x16xf32> to vector<16xf32>
        %swap3A_202 = arith.constant 0 : i32
        %swap3A_203 = arith.index_cast %swap3A_202 : i32 to index
        %swap3A_204 = arith.index_cast %scan3A_155 : i32 to index
        %swap3A_205 = arith.constant 64 : index
        %swap3A_206 = tpu.vector_load %arg8[%swap3A_203, %swap3A_204, %swap3A_205] {strides = array<i32>} : memref<1x200x100xf32, #tpu.memory_space<vmem>>, vector<1x1x16xf32>,
        %swap3A_207 = vector.shape_cast %swap3A_206 : vector<1x1x16xf32> to vector<16xf32>
        %swap3A_208 = vector.shape_cast %get3A_201 : vector<16xf32> to vector<1x1x16xf32>
        tpu.vector_store %arg8[%swap3A_203, %swap3A_204, %swap3A_205], %swap3A_208 {strides = array<i32>} : memref<1x200x100xf32, #tpu.memory_space<vmem>>, vector<1x1x16xf32>,
        %get3A_209 = arith.index_cast %scan3A_155 : i32 to index
        %get3A_210 = arith.constant 80 : index
        %get3A_211 = tpu.vector_load %arg6[%get3A_209, %get3A_210] {strides = array<i32>} : memref<200x128xf32, #tpu.memory_space<vmem>>, vector<1x16xf32>,
        %get3A_212 = vector.shape_cast %get3A_211 : vector<1x16xf32> to vector<16xf32>
        %swap3A_213 = arith.constant 0 : i32
        %swap3A_214 = arith.index_cast %swap3A_213 : i32 to index
        %swap3A_215 = arith.index_cast %scan3A_155 : i32 to index
        %swap3A_216 = arith.constant 80 : index
        %swap3A_217 = tpu.vector_load %arg8[%swap3A_214, %swap3A_215, %swap3A_216] {strides = array<i32>} : memref<1x200x100xf32, #tpu.memory_space<vmem>>, vector<1x1x16xf32>,
        %swap3A_218 = vector.shape_cast %swap3A_217 : vector<1x1x16xf32> to vector<16xf32>
        %swap3A_219 = vector.shape_cast %get3A_212 : vector<16xf32> to vector<1x1x16xf32>
        tpu.vector_store %arg8[%swap3A_214, %swap3A_215, %swap3A_216], %swap3A_219 {strides = array<i32>} : memref<1x200x100xf32, #tpu.memory_space<vmem>>, vector<1x1x16xf32>,
        %get3A_220 = arith.index_cast %scan3A_155 : i32 to index
        %get3A_221 = arith.constant 84 : index
        %get3A_222 = tpu.vector_load %arg6[%get3A_220, %get3A_221] {strides = array<i32>} : memref<200x128xf32, #tpu.memory_space<vmem>>, vector<1x16xf32>,
        %get3A_223 = vector.shape_cast %get3A_222 : vector<1x16xf32> to vector<16xf32>
        %swap3A_224 = arith.constant 0 : i32
        %swap3A_225 = arith.index_cast %swap3A_224 : i32 to index
        %swap3A_226 = arith.index_cast %scan3A_155 : i32 to index
        %swap3A_227 = arith.constant 84 : index
        %swap3A_228 = tpu.vector_load %arg8[%swap3A_225, %swap3A_226, %swap3A_227] {strides = array<i32>} : memref<1x200x100xf32, #tpu.memory_space<vmem>>, vector<1x1x16xf32>,
        %swap3A_229 = vector.shape_cast %swap3A_228 : vector<1x1x16xf32> to vector<16xf32>
        %swap3A_230 = vector.shape_cast %get3A_223 : vector<16xf32> to vector<1x1x16xf32>
        tpu.vector_store %arg8[%swap3A_225, %swap3A_226, %swap3A_227], %swap3A_230 {strides = array<i32>} : memref<1x200x100xf32, #tpu.memory_space<vmem>>, vector<1x1x16xf32>,
      }
      %scan3A_114 = arith.constant 200 : i32
      %add3A_115 = arith.addi %add3A_49, %mul3A_94 : i32
      %dma_start3A_116 = arith.constant 0 : i32
      %dma_start3A_117 = arith.constant 0 : i32
      %dma_start3A_118 = tpu.memref_slice %arg4[%add3A_115, %dma_start3A_116, %dma_start3A_117] : memref<4096x200x100xf32, #tpu.memory_space<hbm>> -> memref<1x200x100xf32, #tpu.memory_space<hbm>>
      %dma_start3A_119 = arith.constant 0 : i32
      %dma_start3A_120 = arith.constant 0 : i32
      %dma_start3A_121 = tpu.memref_slice %arg4[%add3A_115, %dma_start3A_119, %dma_start3A_120] : memref<4096x200x100xf32, #tpu.memory_space<hbm>> -> memref<1x200x100xf32, #tpu.memory_space<hbm>>
      tpu.enqueue_dma source(%arg8 : memref<1x200x100xf32, #tpu.memory_space<vmem>>) target(%dma_start3A_121 : memref<1x200x100xf32, #tpu.memory_space<hbm>>) target_semaphore(%arg12 : memref<!tpu.dma_semaphore, #tpu.memory_space<semaphore_mem>>)
      %add3A_122 = arith.constant 2 : i32
      %add3A_123 = arith.addi %mul3A_94, %add3A_122 : i32
      %lt3A_124 = arith.constant 64 : i32
      %lt3A_125 = arith.cmpi slt, %add3A_123, %lt3A_124 : i32
      %convert_element_type3A_126 = arith.extui %lt3A_125 : i1 to i32
      %cond3A_127 = arith.constant 0 : i32
      %cond3A_128 = arith.cmpi ne, %convert_element_type3A_126, %cond3A_127 : i32
      scf.if %cond3A_128 {
        %add3A_155 = arith.constant 2 : i32
        %add3A_156 = arith.addi %mul3A_94, %add3A_155 : i32
        %dma_start3A_157 = arith.constant 0 : i32
        %dma_start3A_158 = arith.constant 0 : i32
        %dma_start3A_159 = tpu.memref_slice %arg6[%dma_start3A_157, %dma_start3A_158] : memref<200x128xf32, #tpu.memory_space<vmem>> -> memref<128x128xf32, #tpu.memory_space<vmem>>
        %dma_start3A_160 = arith.constant 0 : i32
        %dma_start3A_161 = tpu.memref_slice %arg5[%add3A_156, %dma_start3A_160] : memref<64x200xi32, #tpu.memory_space<vmem>> -> memref<1x128xi32, #tpu.memory_space<vmem>>
        %dma_start3A_162 = tpu.memref_squeeze %dma_start3A_161 : memref<1x128xi32, #tpu.memory_space<vmem>> -> memref<128xi32, #tpu.memory_space<vmem>>
        %dma_start3A_163 = arith.constant 0 : i32
        %dma_start3A_164 = arith.constant 0 : i32
        %dma_start3A_165 = tpu.memref_slice %arg3[%dma_start3A_163, %dma_start3A_164] : memref<100000x128xf32, #tpu.memory_space<hbm>> -> memref<100000x128xf32, #tpu.memory_space<hbm>>
        tpu.enqueue_indirect_dma source(%dma_start3A_165 : memref<100000x128xf32, #tpu.memory_space<hbm>>) target(%dma_start3A_159 : memref<128x128xf32, #tpu.memory_space<vmem>>) offsets(%dma_start3A_162 : memref<128xi32, #tpu.memory_space<vmem>>) semaphore(%arg10 : memref<!tpu.dma_semaphore, #tpu.memory_space<semaphore_mem>>)
        %dma_start3A_166 = arith.constant 128 : i32
        %dma_start3A_167 = arith.constant 0 : i32
        %dma_start3A_168 = tpu.memref_slice %arg6[%dma_start3A_166, %dma_start3A_167] : memref<200x128xf32, #tpu.memory_space<vmem>> -> memref<72x128xf32, #tpu.memory_space<vmem>>
        %dma_start3A_169 = arith.constant 128 : i32
        %dma_start3A_170 = tpu.memref_slice %arg5[%add3A_156, %dma_start3A_169] : memref<64x200xi32, #tpu.memory_space<vmem>> -> memref<1x72xi32, #tpu.memory_space<vmem>>
        %dma_start3A_171 = tpu.memref_squeeze %dma_start3A_170 : memref<1x72xi32, #tpu.memory_space<vmem>> -> memref<72xi32, #tpu.memory_space<vmem>>
        %dma_start3A_172 = arith.constant 0 : i32
        %dma_start3A_173 = arith.constant 0 : i32
        %dma_start3A_174 = tpu.memref_slice %arg3[%dma_start3A_172, %dma_start3A_173] : memref<100000x128xf32, #tpu.memory_space<hbm>> -> memref<100000x128xf32, #tpu.memory_space<hbm>>
        tpu.enqueue_indirect_dma source(%dma_start3A_174 : memref<100000x128xf32, #tpu.memory_space<hbm>>) target(%dma_start3A_168 : memref<72x128xf32, #tpu.memory_space<vmem>>) offsets(%dma_start3A_171 : memref<72xi32, #tpu.memory_space<vmem>>) semaphore(%arg10 : memref<!tpu.dma_semaphore, #tpu.memory_space<semaphore_mem>>)
      } else {
      }
      %dma_wait3A_129 = arith.constant 0 : i32
      %dma_wait3A_130 = arith.constant 0 : i32
      %dma_wait3A_131 = tpu.memref_slice %arg3[%dma_wait3A_129, %dma_wait3A_130] : memref<100000x128xf32, #tpu.memory_space<hbm>> -> memref<200x128xf32, #tpu.memory_space<hbm>>
      %dma_wait3A_132 = arith.constant 0 : i32
      %dma_wait3A_133 = arith.constant 0 : i32
      %dma_wait3A_134 = tpu.memref_slice %arg3[%dma_wait3A_132, %dma_wait3A_133] : memref<100000x128xf32, #tpu.memory_space<hbm>> -> memref<200x128xf32, #tpu.memory_space<hbm>>
      tpu.wait_dma2 semaphore(%arg11 : memref<!tpu.dma_semaphore, #tpu.memory_space<semaphore_mem>>) src(%dma_wait3A_134 : memref<200x128xf32, #tpu.memory_space<hbm>>) dst(%arg7 : memref<200x128xf32, #tpu.memory_space<vmem>>)
      %gt3A_135 = arith.constant 0 : i32
      %gt3A_136 = arith.cmpi sgt, %scan3A_92, %gt3A_135 : i32
      %convert_element_type3A_137 = arith.extui %gt3A_136 : i1 to i32
      %cond3A_138 = arith.constant 0 : i32
      %cond3A_139 = arith.cmpi ne, %convert_element_type3A_137, %cond3A_138 : i32
      scf.if %cond3A_139 {
        %dma_wait3A_155 = arith.constant 0 : i32
        %dma_wait3A_156 = arith.constant 0 : i32
        %dma_wait3A_157 = arith.constant 0 : i32
        %dma_wait3A_158 = tpu.memref_slice %arg4[%dma_wait3A_155, %dma_wait3A_156, %dma_wait3A_157] : memref<4096x200x100xf32, #tpu.memory_space<hbm>> -> memref<1x200x100xf32, #tpu.memory_space<hbm>>
        %dma_wait3A_159 = arith.constant 0 : i32
        %dma_wait3A_160 = arith.constant 0 : i32
        %dma_wait3A_161 = arith.constant 0 : i32
        %dma_wait3A_162 = tpu.memref_slice %arg4[%dma_wait3A_159, %dma_wait3A_160, %dma_wait3A_161] : memref<4096x200x100xf32, #tpu.memory_space<hbm>> -> memref<1x200x100xf32, #tpu.memory_space<hbm>>
        tpu.wait_dma2 semaphore(%arg13 : memref<!tpu.dma_semaphore, #tpu.memory_space<semaphore_mem>>) src(%arg9 : memref<1x200x100xf32, #tpu.memory_space<vmem>>) dst(%dma_wait3A_162 : memref<1x200x100xf32, #tpu.memory_space<hbm>>)
      } else {
      }
      %scan3A_140 = arith.constant 0 : i32
      %scan3A_141 = arith.constant 0 : i32
      %scan3A_142 = arith.constant 200 : i32
      %scan3A_143 = arith.addi %scan3A_141, %scan3A_142 : i32
      %scan3A_144 = arith.constant 1 : i32
      scf.for %scan3A_155 = %scan3A_141 to %scan3A_143 step %scan3A_144  : i32 {
        %get3A = arith.index_cast %scan3A_155 : i32 to index
        %get3A_156 = arith.constant 0 : index
        %get3A_157 = tpu.vector_load %arg7[%get3A, %get3A_156] {strides = array<i32>} : memref<200x128xf32, #tpu.memory_space<vmem>>, vector<1x16xf32>,
        %get3A_158 = vector.shape_cast %get3A_157 : vector<1x16xf32> to vector<16xf32>
        %swap3A = arith.constant 0 : i32
        %swap3A_159 = arith.index_cast %swap3A : i32 to index
        %swap3A_160 = arith.index_cast %scan3A_155 : i32 to index
        %swap3A_161 = arith.constant 0 : index
        %swap3A_162 = tpu.vector_load %arg9[%swap3A_159, %swap3A_160, %swap3A_161] {strides = array<i32>} : memref<1x200x100xf32, #tpu.memory_space<vmem>>, vector<1x1x16xf32>,
        %swap3A_163 = vector.shape_cast %swap3A_162 : vector<1x1x16xf32> to vector<16xf32>
        %swap3A_164 = vector.shape_cast %get3A_158 : vector<16xf32> to vector<1x1x16xf32>
        tpu.vector_store %arg9[%swap3A_159, %swap3A_160, %swap3A_161], %swap3A_164 {strides = array<i32>} : memref<1x200x100xf32, #tpu.memory_space<vmem>>, vector<1x1x16xf32>,
        %get3A_165 = arith.index_cast %scan3A_155 : i32 to index
        %get3A_166 = arith.constant 16 : index
        %get3A_167 = tpu.vector_load %arg7[%get3A_165, %get3A_166] {strides = array<i32>} : memref<200x128xf32, #tpu.memory_space<vmem>>, vector<1x16xf32>,
        %get3A_168 = vector.shape_cast %get3A_167 : vector<1x16xf32> to vector<16xf32>
        %swap3A_169 = arith.constant 0 : i32
        %swap3A_170 = arith.index_cast %swap3A_169 : i32 to index
        %swap3A_171 = arith.index_cast %scan3A_155 : i32 to index
        %swap3A_172 = arith.constant 16 : index
        %swap3A_173 = tpu.vector_load %arg9[%swap3A_170, %swap3A_171, %swap3A_172] {strides = array<i32>} : memref<1x200x100xf32, #tpu.memory_space<vmem>>, vector<1x1x16xf32>,
        %swap3A_174 = vector.shape_cast %swap3A_173 : vector<1x1x16xf32> to vector<16xf32>
        %swap3A_175 = vector.shape_cast %get3A_168 : vector<16xf32> to vector<1x1x16xf32>
        tpu.vector_store %arg9[%swap3A_170, %swap3A_171, %swap3A_172], %swap3A_175 {strides = array<i32>} : memref<1x200x100xf32, #tpu.memory_space<vmem>>, vector<1x1x16xf32>,
        %get3A_176 = arith.index_cast %scan3A_155 : i32 to index
        %get3A_177 = arith.constant 32 : index
        %get3A_178 = tpu.vector_load %arg7[%get3A_176, %get3A_177] {strides = array<i32>} : memref<200x128xf32, #tpu.memory_space<vmem>>, vector<1x16xf32>,
        %get3A_179 = vector.shape_cast %get3A_178 : vector<1x16xf32> to vector<16xf32>
        %swap3A_180 = arith.constant 0 : i32
        %swap3A_181 = arith.index_cast %swap3A_180 : i32 to index
        %swap3A_182 = arith.index_cast %scan3A_155 : i32 to index
        %swap3A_183 = arith.constant 32 : index
        %swap3A_184 = tpu.vector_load %arg9[%swap3A_181, %swap3A_182, %swap3A_183] {strides = array<i32>} : memref<1x200x100xf32, #tpu.memory_space<vmem>>, vector<1x1x16xf32>,
        %swap3A_185 = vector.shape_cast %swap3A_184 : vector<1x1x16xf32> to vector<16xf32>
        %swap3A_186 = vector.shape_cast %get3A_179 : vector<16xf32> to vector<1x1x16xf32>
        tpu.vector_store %arg9[%swap3A_181, %swap3A_182, %swap3A_183], %swap3A_186 {strides = array<i32>} : memref<1x200x100xf32, #tpu.memory_space<vmem>>, vector<1x1x16xf32>,
        %get3A_187 = arith.index_cast %scan3A_155 : i32 to index
        %get3A_188 = arith.constant 48 : index
        %get3A_189 = tpu.vector_load %arg7[%get3A_187, %get3A_188] {strides = array<i32>} : memref<200x128xf32, #tpu.memory_space<vmem>>, vector<1x16xf32>,
        %get3A_190 = vector.shape_cast %get3A_189 : vector<1x16xf32> to vector<16xf32>
        %swap3A_191 = arith.constant 0 : i32
        %swap3A_192 = arith.index_cast %swap3A_191 : i32 to index
        %swap3A_193 = arith.index_cast %scan3A_155 : i32 to index
        %swap3A_194 = arith.constant 48 : index
        %swap3A_195 = tpu.vector_load %arg9[%swap3A_192, %swap3A_193, %swap3A_194] {strides = array<i32>} : memref<1x200x100xf32, #tpu.memory_space<vmem>>, vector<1x1x16xf32>,
        %swap3A_196 = vector.shape_cast %swap3A_195 : vector<1x1x16xf32> to vector<16xf32>
        %swap3A_197 = vector.shape_cast %get3A_190 : vector<16xf32> to vector<1x1x16xf32>
        tpu.vector_store %arg9[%swap3A_192, %swap3A_193, %swap3A_194], %swap3A_197 {strides = array<i32>} : memref<1x200x100xf32, #tpu.memory_space<vmem>>, vector<1x1x16xf32>,
        %get3A_198 = arith.index_cast %scan3A_155 : i32 to index
        %get3A_199 = arith.constant 64 : index
        %get3A_200 = tpu.vector_load %arg7[%get3A_198, %get3A_199] {strides = array<i32>} : memref<200x128xf32, #tpu.memory_space<vmem>>, vector<1x16xf32>,
        %get3A_201 = vector.shape_cast %get3A_200 : vector<1x16xf32> to vector<16xf32>
        %swap3A_202 = arith.constant 0 : i32
        %swap3A_203 = arith.index_cast %swap3A_202 : i32 to index
        %swap3A_204 = arith.index_cast %scan3A_155 : i32 to index
        %swap3A_205 = arith.constant 64 : index
        %swap3A_206 = tpu.vector_load %arg9[%swap3A_203, %swap3A_204, %swap3A_205] {strides = array<i32>} : memref<1x200x100xf32, #tpu.memory_space<vmem>>, vector<1x1x16xf32>,
        %swap3A_207 = vector.shape_cast %swap3A_206 : vector<1x1x16xf32> to vector<16xf32>
        %swap3A_208 = vector.shape_cast %get3A_201 : vector<16xf32> to vector<1x1x16xf32>
        tpu.vector_store %arg9[%swap3A_203, %swap3A_204, %swap3A_205], %swap3A_208 {strides = array<i32>} : memref<1x200x100xf32, #tpu.memory_space<vmem>>, vector<1x1x16xf32>,
        %get3A_209 = arith.index_cast %scan3A_155 : i32 to index
        %get3A_210 = arith.constant 80 : index
        %get3A_211 = tpu.vector_load %arg7[%get3A_209, %get3A_210] {strides = array<i32>} : memref<200x128xf32, #tpu.memory_space<vmem>>, vector<1x16xf32>,
        %get3A_212 = vector.shape_cast %get3A_211 : vector<1x16xf32> to vector<16xf32>
        %swap3A_213 = arith.constant 0 : i32
        %swap3A_214 = arith.index_cast %swap3A_213 : i32 to index
        %swap3A_215 = arith.index_cast %scan3A_155 : i32 to index
        %swap3A_216 = arith.constant 80 : index
        %swap3A_217 = tpu.vector_load %arg9[%swap3A_214, %swap3A_215, %swap3A_216] {strides = array<i32>} : memref<1x200x100xf32, #tpu.memory_space<vmem>>, vector<1x1x16xf32>,
        %swap3A_218 = vector.shape_cast %swap3A_217 : vector<1x1x16xf32> to vector<16xf32>
        %swap3A_219 = vector.shape_cast %get3A_212 : vector<16xf32> to vector<1x1x16xf32>
        tpu.vector_store %arg9[%swap3A_214, %swap3A_215, %swap3A_216], %swap3A_219 {strides = array<i32>} : memref<1x200x100xf32, #tpu.memory_space<vmem>>, vector<1x1x16xf32>,
        %get3A_220 = arith.index_cast %scan3A_155 : i32 to index
        %get3A_221 = arith.constant 84 : index
        %get3A_222 = tpu.vector_load %arg7[%get3A_220, %get3A_221] {strides = array<i32>} : memref<200x128xf32, #tpu.memory_space<vmem>>, vector<1x16xf32>,
        %get3A_223 = vector.shape_cast %get3A_222 : vector<1x16xf32> to vector<16xf32>
        %swap3A_224 = arith.constant 0 : i32
        %swap3A_225 = arith.index_cast %swap3A_224 : i32 to index
        %swap3A_226 = arith.index_cast %scan3A_155 : i32 to index
        %swap3A_227 = arith.constant 84 : index
        %swap3A_228 = tpu.vector_load %arg9[%swap3A_225, %swap3A_226, %swap3A_227] {strides = array<i32>} : memref<1x200x100xf32, #tpu.memory_space<vmem>>, vector<1x1x16xf32>,
        %swap3A_229 = vector.shape_cast %swap3A_228 : vector<1x1x16xf32> to vector<16xf32>
        %swap3A_230 = vector.shape_cast %get3A_223 : vector<16xf32> to vector<1x1x16xf32>
        tpu.vector_store %arg9[%swap3A_225, %swap3A_226, %swap3A_227], %swap3A_230 {strides = array<i32>} : memref<1x200x100xf32, #tpu.memory_space<vmem>>, vector<1x1x16xf32>,
      }
      %scan3A_145 = arith.constant 200 : i32
      %add3A_146 = arith.addi %add3A_49, %mul3A_94 : i32
      %add3A_147 = arith.constant 1 : i32
      %add3A_148 = arith.addi %add3A_146, %add3A_147 : i32
      %dma_start3A_149 = arith.constant 0 : i32
      %dma_start3A_150 = arith.constant 0 : i32
      %dma_start3A_151 = tpu.memref_slice %arg4[%add3A_148, %dma_start3A_149, %dma_start3A_150] : memref<4096x200x100xf32, #tpu.memory_space<hbm>> -> memref<1x200x100xf32, #tpu.memory_space<hbm>>
      %dma_start3A_152 = arith.constant 0 : i32
      %dma_start3A_153 = arith.constant 0 : i32
      %dma_start3A_154 = tpu.memref_slice %arg4[%add3A_148, %dma_start3A_152, %dma_start3A_153] : memref<4096x200x100xf32, #tpu.memory_space<hbm>> -> memref<1x200x100xf32, #tpu.memory_space<hbm>>
      tpu.enqueue_dma source(%arg9 : memref<1x200x100xf32, #tpu.memory_space<vmem>>) target(%dma_start3A_154 : memref<1x200x100xf32, #tpu.memory_space<hbm>>) target_semaphore(%arg13 : memref<!tpu.dma_semaphore, #tpu.memory_space<semaphore_mem>>)
    }
    %scan3A_75 = arith.constant 32 : i32
    %dma_wait3A_76 = arith.constant 0 : i32
    %dma_wait3A_77 = arith.constant 0 : i32
    %dma_wait3A_78 = arith.constant 0 : i32
    %dma_wait3A_79 = tpu.memref_slice %arg4[%dma_wait3A_76, %dma_wait3A_77, %dma_wait3A_78] : memref<4096x200x100xf32, #tpu.memory_space<hbm>> -> memref<1x200x100xf32, #tpu.memory_space<hbm>>
    %dma_wait3A_80 = arith.constant 0 : i32
    %dma_wait3A_81 = arith.constant 0 : i32
    %dma_wait3A_82 = arith.constant 0 : i32
    %dma_wait3A_83 = tpu.memref_slice %arg4[%dma_wait3A_80, %dma_wait3A_81, %dma_wait3A_82] : memref<4096x200x100xf32, #tpu.memory_space<hbm>> -> memref<1x200x100xf32, #tpu.memory_space<hbm>>
    tpu.wait_dma2 semaphore(%arg12 : memref<!tpu.dma_semaphore, #tpu.memory_space<semaphore_mem>>) src(%arg8 : memref<1x200x100xf32, #tpu.memory_space<vmem>>) dst(%dma_wait3A_83 : memref<1x200x100xf32, #tpu.memory_space<hbm>>)
    %dma_wait3A_84 = arith.constant 0 : i32
    %dma_wait3A_85 = arith.constant 0 : i32
    %dma_wait3A_86 = arith.constant 0 : i32
    %dma_wait3A_87 = tpu.memref_slice %arg4[%dma_wait3A_84, %dma_wait3A_85, %dma_wait3A_86] : memref<4096x200x100xf32, #tpu.memory_space<hbm>> -> memref<1x200x100xf32, #tpu.memory_space<hbm>>
    %dma_wait3A_88 = arith.constant 0 : i32
    %dma_wait3A_89 = arith.constant 0 : i32
    %dma_wait3A_90 = arith.constant 0 : i32
    %dma_wait3A_91 = tpu.memref_slice %arg4[%dma_wait3A_88, %dma_wait3A_89, %dma_wait3A_90] : memref<4096x200x100xf32, #tpu.memory_space<hbm>> -> memref<1x200x100xf32, #tpu.memory_space<hbm>>
    tpu.wait_dma2 semaphore(%arg13 : memref<!tpu.dma_semaphore, #tpu.memory_space<semaphore_mem>>) src(%arg9 : memref<1x200x100xf32, #tpu.memory_space<vmem>>) dst(%dma_wait3A_91 : memref<1x200x100xf32, #tpu.memory_space<hbm>>)
    return
  }
}

module attributes {stable_mosaic.version = 14 : i64} {
  func.func @_pad_body(%arg0: i32, %arg1: memref<2000x100xf32, #tpu.memory_space<vmem>>, %arg2: memref<2000x128xf32, #tpu.memory_space<vmem>>) attributes {dimension_semantics = [#tpu.dimension_semantics<arbitrary>], iteration_bounds = array<i64: 50>, scalar_prefetch = 0 : i64, scratch_operands = 0 : i64, tpu.core_type = #tpu.core_type<tc>, window_params = [{transform_indices = @transform_0, window_bounds = array<i64: 2000, 100>}, {transform_indices = @transform_1, window_bounds = array<i64: 2000, 128>}]} {
    %get3A = arith.constant 0 : index
    %get3A_0 = arith.constant 0 : index
    %get3A_1 = vector.load %arg1[%get3A, %get3A_0] : memref<2000x100xf32, #tpu.memory_space<vmem>>, vector<2000x100xf32>
    %swap3A = arith.constant 0 : index
    %swap3A_2 = arith.constant 0 : index
    %swap3A_3 = vector.load %arg2[%swap3A, %swap3A_2] : memref<2000x128xf32, #tpu.memory_space<vmem>>, vector<2000x100xf32>
    tpu.vector_store %arg2[%swap3A, %swap3A_2], %get3A_1 {strides = array<i32>} : memref<2000x128xf32, #tpu.memory_space<vmem>>, vector<2000x100xf32>,
    %broadcast_in_dim3A = arith.constant 0.000000e+00 : f32
    %broadcast_in_dim3A_4 = vector.broadcast %broadcast_in_dim3A : f32 to vector<2000x28xf32>
    %swap3A_5 = arith.constant 0 : index
    %swap3A_6 = arith.constant 100 : index
    %swap3A_7 = vector.load %arg2[%swap3A_5, %swap3A_6] : memref<2000x128xf32, #tpu.memory_space<vmem>>, vector<2000x28xf32>
    tpu.vector_store %arg2[%swap3A_5, %swap3A_6], %broadcast_in_dim3A_4 {strides = array<i32>} : memref<2000x128xf32, #tpu.memory_space<vmem>>, vector<2000x28xf32>,
    return
  }
  func.func @transform_0(%arg0: i32) -> (i32, i32) {
    %c0_i32 = arith.constant 0 : i32
    %c0_i32_0 = arith.constant 0 : i32
    return %arg0, %c0_i32 : i32, i32
  }
  func.func @transform_1(%arg0: i32) -> (i32, i32) {
    %c0_i32 = arith.constant 0 : i32
    %c0_i32_0 = arith.constant 0 : i32
    return %arg0, %c0_i32 : i32, i32
  }
}

module attributes {stable_mosaic.version = 14 : i64} {
  func.func @_tr_body(%arg0: i32, %arg1: i32, %arg2: memref<128x8x100xf32, #tpu.memory_space<vmem>>, %arg3: memref<100x8x128xf32, #tpu.memory_space<vmem>>) attributes {dimension_semantics = [#tpu.dimension_semantics<arbitrary>, #tpu.dimension_semantics<arbitrary>], iteration_bounds = array<i64: 32, 25>, scalar_prefetch = 0 : i64, scratch_operands = 0 : i64, tpu.core_type = #tpu.core_type<tc>, window_params = [{transform_indices = @transform_0, window_bounds = array<i64: 128, 8, 100>}, {transform_indices = @transform_1, window_bounds = array<i64: 100, 8, 128>}]} {
    %get3A = arith.constant 0 : index
    %get3A_0 = arith.constant 0 : index
    %get3A_1 = arith.constant 0 : index
    %get3A_2 = vector.load %arg2[%get3A, %get3A_0, %get3A_1] : memref<128x8x100xf32, #tpu.memory_space<vmem>>, vector<128x8x100xf32>
    %transpose3A = tpu.transpose %get3A_2, [2, 1, 0] : vector<128x8x100xf32> -> vector<100x8x128xf32>
    %swap3A = arith.constant 0 : index
    %swap3A_3 = arith.constant 0 : index
    %swap3A_4 = arith.constant 0 : index
    %swap3A_5 = vector.load %arg3[%swap3A, %swap3A_3, %swap3A_4] : memref<100x8x128xf32, #tpu.memory_space<vmem>>, vector<100x8x128xf32>
    tpu.vector_store %arg3[%swap3A, %swap3A_3, %swap3A_4], %transpose3A {strides = array<i32>} : memref<100x8x128xf32, #tpu.memory_space<vmem>>, vector<100x8x128xf32>,
    return
  }
  func.func @transform_0(%arg0: i32, %arg1: i32) -> (i32, i32, i32) {
    %c0_i32 = arith.constant 0 : i32
    %c0_i32_0 = arith.constant 0 : i32
    return %arg0, %arg1, %c0_i32 : i32, i32, i32
  }
  func.func @transform_1(%arg0: i32, %arg1: i32) -> (i32, i32, i32) {
    %c0_i32 = arith.constant 0 : i32
    %c0_i32_0 = arith.constant 0 : i32
    return %c0_i32, %arg1, %arg0 : i32, i32, i32
  }
}

</mosaic_0001>

<sc_bundles>
// kernel: kernel.5.cloned.1.call-start
scs
__scs_entry_jumppad:
0x0: {  	(pc) =	sbr.rel $0x88, $3  }
0x1: {  	(tag) =	ssettag $0x0;
	lr =	simm.s32 $0x1  }
0x2: {  	[smem:$0x3F9F] =	sst lr;
	_ =	strace $0xD0000000  }
0x3: {  	_ = 	snop  }
0x4: {  	_ = 	snop  }
0x5: {  	_ = 	snop  }
0x6: {  	_ = 	snop  }
0x7: {  	_ = 	snop  }
__scs_overlays_trampoline_lowered:
0x8: {  	[smem:$0x3FAE] =	sst s0  }
0x9: {  	[smem:$0x3FAF] =	sst s1  }
0xa: {  	[smem:$0x3FB0] =	sst s2  }
0xb: {  	[smem:$0x3FB1] =	sst s3  }
0xc: {  	[smem:$0x3FB2] =	sst s4  }
0xd: {  	[smem:$0x3FB3] =	sst s5  }
0xe: {  	[smem:$0x3FB4] =	sst s6  }
0xf: {  	[smem:$0x3FB5] =	sst s7  }
0x10: {  	[smem:$0x3FB6] =	sst s8  }
0x11: {  	[smem:$0x3FB7] =	sst s9;
	s0 =	simm.s32 @!p0 $0x0  }
0x12: {  	s1 =	sld [smem:$0x3F9D];
	s0 =	simm.s32 @p0 $0x1  }
0x13: {  	[smem:$0x3FB8] =	sst s0;
	s0 =	simm.s32 @!p1 $0x0  }
0x14: {  	s2 =	sld [smem:$0x3F9C];
	s0 =	simm.s32 @p1 $0x1  }
0x15: {  	[smem:$0x3FB9] =	sst s0;
	s0 =	simm.s32 @!p2 $0x0  }
0x16: {  	s3 =	sld [smem:$0x3FDB];
	s0 =	simm.s32 @p2 $0x1  }
0x17: {  	s4 =	simm.s32 $0x1BF5;
	[smem:$0x3FBB] =	sst s0  }
0x18: {  	s0 =	sld [smem:$0x3F9E];
	_ =	swait.ge [sflag:s4], $0x0  }
0x19: {  	s7 =	sld [smem:$0x3F9F]  }
0x1a: {  	s8 =	sadd.s32 $0xFFFFE003, lr  }
0x1b: {  	s9 =	sadd.s32 $0xFFFFFEF7, lr;
	s5 =	simm.s32 $0xFFFFFFFF;
	p2 =	slt.u32 s8, $0xFFFFF086  }
0x1c: {  	p1 =	slt.u32 s9, $0xF7A;
	s5 =	simm.s32 @!p2 $0x0  }
0x1d: {  	s5 =	simm.s32 @p1 $0x1;
	p0 =	seq.s32 s7, s2  }
0x1e: {  	s7 =	smul.u32 @!p0 $0xF7A, s2;
	p2 =	seq.s32 @!p0 s5, $0x0  }
0x1f: {  	s9 =	smul.u32 $0xF7A, s1;
	s8 =	simm.s32 @!p0 $0x1BF5;
	p2 =	por !p2, p0  }
0x20: {  	[sflag:s8] =	ssyncset.s32 @!p0 $0xFFFFF086;
	s6 =	sadd.s32 @!p0 s3, s7;
	s7 =	simm.s32 @!p0 $0x108  }
0x21: {  	s3 =	sadd.s32 s3, s9;
	s6 =	sadd.s32 @!p0 $0x88, s6;
	s7 =	simm.s32 @p2 $0x1082  }
0x22: {  	[simem:s7], [sflag:s8] =	dma.local @!p0 [hbm:s6], $0xF7A  }
0x23: {  	s9 =	sor.u32 $0xD0000000, s2;
	s6 =	simm.s32 $0x108;
	_ =	swait.ge @!p0 [sflag:s8], $0x0  }
0x24: {  	s3 =	sadd.s32 $0x88, s3;
	s6 =	simm.s32 @!p1 $0x1082;
	[sflag:s4] =	ssyncset.s32 $0xFFFFF086  }
0x25: {  	[simem:s6], [sflag:s4] =	dma.local [hbm:s3], $0xF7A  }
0x26: {  	[smem:$0x3F9F] =	sst s1;
	(tag) =	ssettag s2;
	_ =	strace s9  }
0x27: {  	s1 =	sld [smem:$0x3FAF]  }
0x28: {  	s2 =	sld [smem:$0x3FB0]  }
0x29: {  	s4 =	sld [smem:$0x3FB2]  }
0x2a: {  	p0 =	seq.s32 s5, $0x0;
	s5 =	sld [smem:$0x3FB3]  }
0x2b: {  	s6 =	sld [smem:$0x3FB4]  }
0x2c: {  	s7 =	sld [smem:$0x3FB5]  }
0x2d: {  	s3 =	simm.s32 $0x108;
	s8 =	sld [smem:$0x3FB6]  }
0x2e: {  	s3 =	simm.s32 @!p0 $0x1082;
	s9 =	sld [smem:$0x3FB7]  }
0x2f: {  	lr =	sadd.s32 s0, s3;
	s0 =	sld [smem:$0x3FAE]  }
0x30: {  	s3 =	sld [smem:$0x3FB1]  }
0x31: {  	[smem:$0x3FBA] =	sst s10  }
0x32: {  	s10 =	sld [smem:$0x3FB8];
	_ =	sdelay $0x3  }
0x33: {  	p0 =	seq.s32 s10, $0x1;
	s10 =	sld [smem:$0x3FBA];
	_ =	sdelay $0x3  }
0x34: {  	[smem:$0x3FBA] =	sst s10  }
0x35: {  	s10 =	sld [smem:$0x3FB9];
	_ =	sdelay $0x3  }
0x36: {  	p1 =	seq.s32 s10, $0x1;
	s10 =	sld [smem:$0x3FBA];
	_ =	sdelay $0x3  }
0x37: {  	[smem:$0x3FBA] =	sst s10  }
0x38: {  	s10 =	sld [smem:$0x3FBB]  }
0x39: {  	_ = 	snop;
	(pc) =	sbr.ind lr, $3  }
0x3a: {  	_ = 	snop  }
0x3b: {  	_ = 	snop  }
0x3c: {  	p2 =	seq.s32 s10, $0x1;
	s10 =	sld [smem:$0x3FBA]  }
0x3d: {  	_ =	shalt  }
0x3e: {  	_ =	shalt  }
0x3f: {  	_ =	shalt  }
0x40: {  	_ =	shalt  }
0x41: {  	_ =	shalt  }
0x42: {  	_ =	shalt  }
0x43: {  	_ =	shalt  }
0x44: {  	_ =	shalt  }
0x45: {  	_ =	shalt  }
0x46: {  	_ =	shalt  }
0x47: {  	_ =	shalt  }
0x48: {  	_ =	shalt  }
0x49: {  	_ =	shalt  }
0x4a: {  	_ =	shalt  }
0x4b: {  	_ =	shalt  }
0x4c: {  	_ =	shalt  }
0x4d: {  	_ =	shalt  }
0x4e: {  	_ =	shalt  }
0x4f: {  	_ =	shalt  }
0x50: {  	_ =	shalt  }
0x51: {  	_ =	shalt  }
0x52: {  	_ =	shalt  }
0x53: {  	_ =	shalt  }
0x54: {  	_ =	shalt  }
0x55: {  	_ =	shalt  }
0x56: {  	_ =	shalt  }
0x57: {  	_ =	shalt  }
0x58: {  	_ =	shalt  }
0x59: {  	_ =	shalt  }
0x5a: {  	_ =	shalt  }
0x5b: {  	_ =	shalt  }
0x5c: {  	_ =	shalt  }
0x5d: {  	_ =	shalt  }
0x5e: {  	_ =	shalt  }
0x5f: {  	_ =	shalt  }
0x60: {  	_ =	shalt  }
0x61: {  	_ =	shalt  }
0x62: {  	_ =	shalt  }
0x63: {  	_ =	shalt  }
0x64: {  	_ =	shalt  }
0x65: {  	_ =	shalt  }
0x66: {  	_ =	shalt  }
0x67: {  	_ =	shalt  }
0x68: {  	_ =	shalt  }
0x69: {  	_ =	shalt  }
0x6a: {  	_ =	shalt  }
0x6b: {  	_ =	shalt  }
0x6c: {  	_ =	shalt  }
0x6d: {  	_ =	shalt  }
0x6e: {  	_ =	shalt  }
0x6f: {  	_ =	shalt  }
0x70: {  	_ =	shalt  }
0x71: {  	_ =	shalt  }
0x72: {  	_ =	shalt  }
0x73: {  	_ =	shalt  }
0x74: {  	_ =	shalt  }
0x75: {  	_ =	shalt  }
0x76: {  	_ =	shalt  }
0x77: {  	_ =	shalt  }
0x78: {  	_ =	shalt  }
0x79: {  	_ =	shalt  }
0x7a: {  	_ =	shalt  }
0x7b: {  	_ =	shalt  }
0x7c: {  	_ =	shalt  }
0x7d: {  	_ =	shalt  }
0x7e: {  	_ =	shalt  }
0x7f: {  	_ =	shalt  }
0x80: {  	_ =	shalt  }
0x81: {  	_ =	shalt  }
0x82: {  	_ =	shalt  }
0x83: {  	_ =	shalt  }
0x84: {  	_ =	shalt  }
0x85: {  	_ =	shalt  }
0x86: {  	_ =	shalt  }
0x87: {  	_ =	shalt  }
.Lfunc_end0:
.L_simem_size_0:
called_computation_lowered:
.L_overlay_start_0:
0x88: {  	s2 =	sld [smem:$0x3FD9]  }
0x89: {  	s3 =	sld [smem:$0x3FFE];
	_ =	sdelay $0x1  }
0x8a: {  	s1 =	srdreg.scid  }
0x8b: {  	s0 =	sand.u32 $0x1, s1  }
0x8c: {  	s16 =	sshll.u32 s0, $0xA;
	s2 =	sadd.s32 s3, s2  }
0x8d: {  	s2 =	sadd.s32 s2, s16  }
0x8e: {  	[smem:$0x3FC6] =	sst s2  }
0x8f: {  	_ = 	snop  }
0x90: {  	(tm) =	ssettm $0x1  }
0x91: {  	s17 =	sld [smem:$0x3FFB];
	_ =	sdelay $0x3  }
0x92: {  	_ =	strace s17  }
0x93: {  	s2 =	sld [smem:$0x3FFC];
	_ =	sdelay $0x3  }
0x94: {  	_ =	strace s2  }
0x95: {  	s2 =	sld [smem:$0x3FFD];
	_ =	sdelay $0x3  }
0x96: {  	_ =	strace s2  }
0x97: {  	_ =	strace $0x8FFFFFFF  }
0x98: {  	s18 =	sld [smem:$0x3FDB];
	_ =	sdelay $0x1  }
0x99: {  	s19 =	simm.s32 $_scs_section_size  }
0x9a: {  	s4 =	simm.s32 $_size__tile_overlayer_lowered;
	s5 =	simm.s32 $_tile_overlayer_lowered  }
0x9b: {  	s22 =	simm.s32 $0x1BFF;
	s21 =	sshll.u32 s5, $0x1;
	s2 =	sadd.s32 s19, s18  }
0x9c: {  	s6 =	simm.s32 $0x0;
	s20 =	sshll.u32 s4, $0x1;
	s4 =	sadd.s32 s21, s2  }
0x9d: {  	[timem:s6], [sflag:s22] =	dma.local [hbm:s4], s20  }
0x9e: {  	_ =	swait.ge [sflag:s22], s20  }
0x9f: {  	s3 =	ssub.s32 $0x0, s20;
	[sflag:s22] =	ssyncset.done $0x0  }
0xa0: {  	[sflag:s22] =	ssyncadd.s32 s3;
	_ =	sdelay $0x1  }
0xa1: {  	s23 =	simm.s32 $0x1B8B  }
0xa2: {  	_ =	swait.ge [sflag:s23], $0x1  }
0xa3: {  	[sflag:s23] =	ssyncset.done $0x0  }
0xa4: {  	s25 =	simm.s32 $0x1B8E;
	s24 =	sld [smem:$0x3FFE];
	[sflag:s23] =	ssyncadd.s32 $0xFFFFFFFF  }
0xa5: {  	s26 =	simm.s32 $execute0_lowered;
	[smem:$0x3FD2] =	sst s25  }
0xa6: {  	s4 =	sshll.u32 s26, $0x1;
	_ =	strace $0x80000046;
	[dreg:$0x1] =	wrdreg $0xFFFFFFFF  }
0xa7: {  	s28 =	simm.s32 $_size_execute0_lowered;
	s2 =	sadd.s32 s2, s4;
	[dreg:$0x0] =	wrdreg $0x0  }
0xa8: {  	s4 =	sshll.u32 s28, $0x1;
	[dreg:$0x2] =	wrdreg s2  }
0xa9: {  	[dreg:$0x3] =	wrdreg s4  }
0xaa: {  	[dreg:$0x4] =	wrdreg $0xC0  }
0xab: {  	_ =	task [dreg:s6], $0x5FFFF  }
0xac: {  	[dreg:$0x1] =	wrdreg $0xFFFFFFFF  }
0xad: {  	[dreg:$0x0] =	wrdreg $0x60  }
0xae: {  	[dreg:$0x2] =	wrdreg s24  }
0xaf: {  	[dreg:$0x3] =	wrdreg $0x9  }
0xb0: {  	_ =	task.clear_ibuf [dreg:s6], $0x4FFFF;
	_ =	strace $0x90000046  }
0xb1: {  	s29 =	simm.s32 $0x9;
	_ =	strace $0x80000048  }
0xb2: {  	_ =	swait.ge [sflag:s29], $0x1  }
0xb3: {  	[sflag:s29] =	ssyncadd.s32 $0xFFFFFFFF  }
0xb4: {  	_ =	strace $0x90000048  }
0xb5: {  	_ =	sfence  }
0xb6: {  	s30 =	sld [smem:$0x0];
	_ =	sdelay $0x2  }
0xb7: {  	s31 =	sshll.u32 s1, $0xD;
	s1 =	sshrl.u32 s1, $0x2  }
0xb8: {  	s3 =	sand.u32 $0x4000, s31;
	s1 =	sadd.s32 s1, s30  }
0xb9: {  	s0 =	sor.u32 s3, s0;
	s1 =	sshll.u32 s1, $0x11  }
0xba: {  	s0 =	sor.u32 s1, s0  }
0xbb: {  	s0 =	sadd.s32 $0x8F2B, s0  }
0xbc: {  	[sflag:s0] =	ssyncadd.remote.s32 $0x1  }
0xbd: {  	_ =	sfence.sel $0xFFFF  }
0xbe: {  	[dreg:$0x0] =	wrdreg $0xFFFFFFFF;
	(pc) =	sbr.abs _section_cstart, $3  }
0xbf: {  	[dreg:$0x1] =	wrdreg $0xFFFFFFFF  }
0xc0: {  	_ =	task.clear_ibuf [dreg:s6], $0x2FFFF;
	_ =	strace $0x9FFFFFFF  }
0xc1: {  	(tm) =	ssettm $0x7FFFFFFF  }
tec
execute0_lowered:
.L_overlay_start_1:
0x0: {  	(tag) =	ssettag $0x1  }
0x1: {  	s5 =	rddreg [dreg:$0x0]  }
0x2: {  	s0 =	rddreg [dreg:$0x1]  }
0x3: {  	s2 =	simm.s32 $0x0;
	s3 =	srdreg.scid;
	s1 =	stileid.u32  }
0x4: {  	s11 =	simm.s32 $0x80;
	s12 =	simm.s32 $0x4000;
	s13 =	simm.s32 $0x48  }
0x5: {  	s14 =	simm.s32 $0x400;
	s15 =	simm.s32 $0x8000;
	s16 =	simm.s32 $0xA400  }
0x6: {  	s17 =	simm.s32 $0xE400;
	s18 =	simm.s32 $0x1;
	s19 =	simm.s32 $0x10800  }
0x7: {  	s20 =	simm.s32 $0x2;
	s21 =	simm.s32 $0x4;
	s22 =	simm.s32 $0x16C00  }
0x8: {  	s23 =	simm.s32 $0x3;
	s24 =	simm.s32 $0x0;
	[smem:$0x7FF] =	sst s2  }
0x9: {  	s4 =	sand.u32 $0x1, s3;
	s8 =	sadd.s32 $0x400, s5;
	s6 =	sshll.u32 s1, $0x8  }
0xa: {  	s3 =	sadd.s32 $0x20400, s5;
	s5 =	sadd.s32 $0x1A6E00, s5;
	s7 =	sshll.u32 s4, $0x7  }
0xb: {  	_ =	strace $0x80000047;
	s9 =	ssub.s32 $0x2, s4;
	s4 =	sor.u32 s7, s6  }
0xc: {  	s30 =	sshrl.u32 s9, $0x1;
	s6 =	sor.u32 $0x40, s4;
	s31 =	sshll.u32 s4, $0x5  }
0xd: {  	s9 =	ssub.s32 s9, s30;
	s10 =	sshll.u32 s6, $0x5;
	s7 =	sadd.s32 s8, s31  }
0xe: {  	s9 =	smax.u32 s9, $0x1;
	s8 =	sadd.s32 s8, s10;
	s10 =	simm.s32 $0x5  }
.LBB2_1:
0xf: {  	[tilespmem:s2], [sflag:$0x5] =	stream.linear.gather [hbm4b:s7+s2], $0x4000, $0x38;
	[tilespmem:$0x1D000] =	vst v63  }
0x10: {  	_ =	swait.ge [sflag:s10], $0x4000  }
0x11: {  	[sflag:s10] =	ssyncset.done $0x0  }
0x12: {  	[sflag:s10] =	ssyncadd.s32 $0xFFFFC000  }
0x13: {  	[tilespmem:s12], [sflag:$0x1] =	stream.indirect.gather [hbm4b:s3+s11], $0x80, s2, s11, $0xb8;
	[tilespmem:$0x1D000] =	vst v63  }
0x14: {  	s25 =	simm.s32 $0x0  }
0x15: {  	[tilespmem:s15], [sflag:$0x1] =	stream.indirect.gather [hbm4b:s3+s13], $0x80, s14, s13, $0xb8;
	[tilespmem:$0x1D000] =	vst v63  }
.LBB2_2:
0x16: {  	s26 =	sshll.u32 s25, $0x9;
	s28 =	sshll.u32 s25, $0x8  }
0x17: {  	s26 =	sand.u32 $0x3800, s26;
	s28 =	sand.u32 $0x300, s28  }
0x18: {  	s26 =	sor.u32 s28, s26  }
0x19: {  	s28 =	sor.u32 $0x80, s26  }
0x1a: {  	[tilespmem:s16], [sflag:$0x2] =	stream.indirect.gather [hbm4b:s3+s11], $0x80, s28, s11, $0xb8;
	[tilespmem:$0x1D000] =	vst v63  }
0x1b: {  	s26 =	sor.u32 $0x480, s26  }
0x1c: {  	[tilespmem:s17], [sflag:$0x2] =	stream.indirect.gather [hbm4b:s3+s13], $0x80, s26, s13, $0xb8;
	[tilespmem:$0x1D000] =	vst v63  }
0x1d: {  	_ =	swait.ge [sflag:s18], $0x6400  }
0x1e: {  	p0 =	seq.s32 s25, $0x0;
	[sflag:s18] =	ssyncset.done $0x0  }
0x1f: {  	s26 =	simm.s32 @!p0 $0x3;
	[sflag:s18] =	ssyncadd.s32 $0xFFFF9C00  }
0x20: {  	_ =	swait.ge @!p0 [sflag:s26], $0x6400  }
0x21: {  	[sflag:s26] =	ssyncset.done @!p0 $0x0  }
0x22: {  	[sflag:s26] =	ssyncadd.s32 @!p0 $0xFFFF9C00;
	s26 =	simm.s32 $0x0  }
0x23: {  	v3 =	vld [tilespmem:s26+$0x4050]  }
0x24: {  	v4 =	vld [tilespmem:s26+$0x4054]  }
0x25: {  	v5 =	vld [tilespmem:s26+$0x4000]  }
0x26: {  	v2 =	vld [tilespmem:s26+$0x4010]  }
0x27: {  	v0 =	vld [tilespmem:s26+$0x4020]  }
0x28: {  	v1 =	vld [tilespmem:s26+$0x4030];
	[tilespmem:s26+$0x10850] =	vst v3  }
0x29: {  	s29 =	simm.s32 $0x80;
	v3 =	vld [tilespmem:s26+$0x4040];
	[tilespmem:s26+$0x10854] =	vst v4  }
0x2a: {  	s30 =	simm.s32 $0x400;
	s28 =	sshll.u32 s25, $0x1;
	v4 =	vld [tilespmem:s29+$0x4050];
	[tilespmem:s26+$0x10800] =	vst v5  }
.LBB2_3:
0x2b: {  	p1 =	sne.s32 s30, $0x18E00;
	v5 =	vld [tilespmem:s29+$0x4054];
	[tilespmem:s26+$0x10810] =	vst v2  }
0x2c: {  	v6 =	vld [tilespmem:s29+$0x4000];
	[tilespmem:s26+$0x10820] =	vst v0  }
.Ltmp0:
0x2d: {  	v2 =	vld [tilespmem:s29+$0x4010];
	[tilespmem:s26+$0x10830] =	vst v1;
	(pc) =	sbr.rel @p1 .LBB2_3-.Ltmp0, $4  }
0x2e: {  	v0 =	vld [tilespmem:s29+$0x4020];
	[tilespmem:s26+$0x10840] =	vst v3;
	s26 =	smov.u32 s29  }
0x2f: {  	v1 =	vld [tilespmem:s26+$0x4030];
	[tilespmem:s26+$0x10850] =	vst v4  }
0x30: {  	s29 =	sshra.s32 s30, $0x2;
	v3 =	vld [tilespmem:s26+$0x4040];
	[tilespmem:s26+$0x10854] =	vst v5  }
0x31: {  	s30 =	sadd.s32 $0x200, s30;
	v4 =	vld [tilespmem:s29+$0x4050];
	[tilespmem:s26+$0x10800] =	vst v6  }
0x32: {  	v5 =	vld [tilespmem:s29+$0x4054];
	[tilespmem:s26+$0x10810] =	vst v2  }
0x33: {  	v2 =	vld [tilespmem:s29+$0x4000];
	[tilespmem:s26+$0x10820] =	vst v0  }
0x34: {  	v0 =	vld [tilespmem:s29+$0x4010];
	[tilespmem:s26+$0x10830] =	vst v1  }
0x35: {  	v1 =	vld [tilespmem:s29+$0x4020];
	[tilespmem:s26+$0x10840] =	vst v3  }
0x36: {  	v3 =	vld [tilespmem:s29+$0x4030];
	[tilespmem:s29+$0x10850] =	vst v4  }
0x37: {  	v63 =	vld [tilespmem:s29+$0x4040];
	[tilespmem:s29+$0x10854] =	vst v5  }
0x38: {  	p1 =	sne.s32 s25, $0x1F;
	[tilespmem:s29+$0x10800] =	vst v2  }
.Ltmp1:
0x39: {  	s26 =	sor.u32 s4, s28;
	[tilespmem:s29+$0x10810] =	vst v0;
	(pc) =	sbr.rel @p1 .LBB2_6-.Ltmp1, $4  }
0x3a: {  	s30 =	smul.u32 $0xC80, s26;
	[tilespmem:s29+$0x10820] =	vst v1  }
0x3b: {  	[tilespmem:s29+$0x10830] =	vst v3  }
0x3c: {  	s31 =	sadd.s32 s5, s30;
	[tilespmem:s29+$0x10840] =	vst v63  }
0x3d: {  	[hbm4b:s31+s2] =	stream.linear.scatter [tilespmem:s19], [sflag:$0x3], $0x6400, $0x38;
	[tilespmem:$0x1D000] =	vst v63  }
.Ltmp2:
0x3e: {  	(pc) =	sbr.rel .LBB2_7-.Ltmp2, $4  }
0x3f: {  	_ = 	snop  }
0x40: {  	_ =	swait.ge [sflag:s20], $0x6400  }
0x41: {  	[sflag:s20] =	ssyncset.done $0x0  }
0x42: {  	[sflag:s20] =	ssyncadd.s32 $0xFFFF9C00  }
.LBB2_6:
0x43: {  	s28 =	sadd.s32 $0x2, s28  }
0x44: {  	s29 =	sshll.u32 s28, $0x8;
	s28 =	sshll.u32 s28, $0x7  }
0x45: {  	s29 =	sand.u32 $0x7800, s29;
	s28 =	sand.u32 $0x300, s28  }
0x46: {  	s28 =	sor.u32 s28, s29  }
0x47: {  	[tilespmem:s12], [sflag:$0x1] =	stream.indirect.gather [hbm4b:s3+s11], $0x80, s28, s11, $0xb8;
	[tilespmem:$0x1D000] =	vst v63  }
.Ltmp3:
0x48: {  	s28 =	sor.u32 $0x400, s28;
	(pc) =	sbr.rel @p0 .LBB2_8-.Ltmp3, $4  }
0x49: {  	[tilespmem:s15], [sflag:$0x1] =	stream.indirect.gather [hbm4b:s3+s13], $0x80, s28, s13, $0xb8;
	[tilespmem:$0x1D000] =	vst v63  }
0x4a: {  	_ =	swait.ge [sflag:s20], $0x6400  }
0x4b: {  	[sflag:s20] =	ssyncset.done $0x0  }
0x4c: {  	[sflag:s20] =	ssyncadd.s32 $0xFFFF9C00  }
.LBB2_7:
0x4d: {  	_ =	swait.ge [sflag:s21], $0x6400  }
0x4e: {  	[sflag:s21] =	ssyncset.done $0x0  }
0x4f: {  	[sflag:s21] =	ssyncadd.s32 $0xFFFF9C00  }
.LBB2_8:
0x50: {  	s28 =	simm.s32 $0x0  }
0x51: {  	v3 =	vld [tilespmem:s28+$0xA450]  }
0x52: {  	v4 =	vld [tilespmem:s28+$0xA454]  }
0x53: {  	v5 =	vld [tilespmem:s28+$0xA400]  }
0x54: {  	v2 =	vld [tilespmem:s28+$0xA410]  }
0x55: {  	v0 =	vld [tilespmem:s28+$0xA420]  }
0x56: {  	v1 =	vld [tilespmem:s28+$0xA430];
	[tilespmem:s28+$0x16C50] =	vst v3  }
0x57: {  	s29 =	simm.s32 $0x80;
	v3 =	vld [tilespmem:s28+$0xA440];
	[tilespmem:s28+$0x16C54] =	vst v4  }
0x58: {  	s30 =	simm.s32 $0x400;
	v4 =	vld [tilespmem:s29+$0xA450];
	[tilespmem:s28+$0x16C00] =	vst v5  }
.LBB2_9:
0x59: {  	p0 =	sne.s32 s30, $0x18E00;
	v5 =	vld [tilespmem:s29+$0xA454];
	[tilespmem:s28+$0x16C10] =	vst v2  }
0x5a: {  	v6 =	vld [tilespmem:s29+$0xA400];
	[tilespmem:s28+$0x16C20] =	vst v0  }
.Ltmp4:
0x5b: {  	v2 =	vld [tilespmem:s29+$0xA410];
	[tilespmem:s28+$0x16C30] =	vst v1;
	(pc) =	sbr.rel @p0 .LBB2_9-.Ltmp4, $4  }
0x5c: {  	v0 =	vld [tilespmem:s29+$0xA420];
	[tilespmem:s28+$0x16C40] =	vst v3;
	s28 =	smov.u32 s29  }
0x5d: {  	v1 =	vld [tilespmem:s28+$0xA430];
	[tilespmem:s28+$0x16C50] =	vst v4  }
0x5e: {  	s29 =	sshra.s32 s30, $0x2;
	v3 =	vld [tilespmem:s28+$0xA440];
	[tilespmem:s28+$0x16C54] =	vst v5  }
0x5f: {  	s30 =	sadd.s32 $0x200, s30;
	v4 =	vld [tilespmem:s29+$0xA450];
	[tilespmem:s28+$0x16C00] =	vst v6  }
0x60: {  	v5 =	vld [tilespmem:s29+$0xA454];
	[tilespmem:s28+$0x16C10] =	vst v2  }
0x61: {  	v2 =	vld [tilespmem:s29+$0xA400];
	[tilespmem:s28+$0x16C20] =	vst v0  }
0x62: {  	v0 =	vld [tilespmem:s29+$0xA410];
	[tilespmem:s28+$0x16C30] =	vst v1  }
0x63: {  	v1 =	vld [tilespmem:s29+$0xA420];
	[tilespmem:s28+$0x16C40] =	vst v3  }
0x64: {  	v3 =	vld [tilespmem:s29+$0xA430];
	[tilespmem:s29+$0x16C50] =	vst v4  }
0x65: {  	s25 =	sadd.s32 $0x1, s25;
	v63 =	vld [tilespmem:s29+$0xA440];
	[tilespmem:s29+$0x16C54] =	vst v5  }
0x66: {  	s26 =	smul.u32 $0x6400, s26;
	p0 =	sne.s32 s25, $0x20;
	[tilespmem:s29+$0x16C00] =	vst v2  }
.Ltmp5:
0x67: {  	[tilespmem:s29+$0x16C10] =	vst v0;
	(pc) =	sbr.rel @p0 .LBB2_2-.Ltmp5, $4  }
0x68: {  	s26 =	sshrl.u32 s26, $0x3;
	[tilespmem:s29+$0x16C20] =	vst v1  }
0x69: {  	s26 =	sadd.s32 s5, s26;
	[tilespmem:s29+$0x16C30] =	vst v3  }
0x6a: {  	s26 =	sadd.s32 $0xC80, s26;
	[tilespmem:s29+$0x16C40] =	vst v63  }
0x6b: {  	[hbm4b:s26+s2] =	stream.linear.scatter [tilespmem:s22], [sflag:$0x4], $0x6400, $0x38;
	[tilespmem:$0x1D000] =	vst v63  }
0x6c: {  	_ =	swait.ge [sflag:s23], $0x6400  }
0x6d: {  	[sflag:s23] =	ssyncset.done $0x0  }
0x6e: {  	[sflag:s23] =	ssyncadd.s32 $0xFFFF9C00  }
0x6f: {  	_ =	swait.ge [sflag:s21], $0x6400  }
0x70: {  	[sflag:s21] =	ssyncset.done $0x0  }
0x71: {  	s25 =	simm.s32 $0x0;
	[sflag:s21] =	ssyncadd.s32 $0xFFFF9C00  }
0x72: {  	[tilespmem:s25], [sflag:$0x5] =	stream.linear.gather [hbm4b:s8+s25], $0x4000, $0x38;
	[tilespmem:$0x1D000] =	vst v63  }
0x73: {  	_ =	swait.ge [sflag:s10], $0x4000  }
0x74: {  	[sflag:s10] =	ssyncset.done $0x0  }
0x75: {  	[sflag:s10] =	ssyncadd.s32 $0xFFFFC000  }
0x76: {  	[tilespmem:s12], [sflag:$0x1] =	stream.indirect.gather [hbm4b:s3+s11], $0x80, s25, s11, $0xb8;
	[tilespmem:$0x1D000] =	vst v63  }
0x77: {  	_ = 	snop  }
0x78: {  	[tilespmem:s15], [sflag:$0x1] =	stream.indirect.gather [hbm4b:s3+s13], $0x80, s14, s13, $0xb8;
	[tilespmem:$0x1D000] =	vst v63  }
.LBB2_12:
0x79: {  	s26 =	sshll.u32 s25, $0x9;
	s28 =	sshll.u32 s25, $0x8  }
0x7a: {  	s26 =	sand.u32 $0x3800, s26;
	s28 =	sand.u32 $0x300, s28  }
0x7b: {  	s26 =	sor.u32 s28, s26  }
0x7c: {  	s28 =	sor.u32 $0x80, s26  }
0x7d: {  	[tilespmem:s16], [sflag:$0x2] =	stream.indirect.gather [hbm4b:s3+s11], $0x80, s28, s11, $0xb8;
	[tilespmem:$0x1D000] =	vst v63  }
0x7e: {  	s26 =	sor.u32 $0x480, s26  }
0x7f: {  	[tilespmem:s17], [sflag:$0x2] =	stream.indirect.gather [hbm4b:s3+s13], $0x80, s26, s13, $0xb8;
	[tilespmem:$0x1D000] =	vst v63  }
0x80: {  	_ =	swait.ge [sflag:s18], $0x6400  }
0x81: {  	p0 =	seq.s32 s25, $0x0;
	[sflag:s18] =	ssyncset.done $0x0  }
0x82: {  	s26 =	simm.s32 @!p0 $0x3;
	[sflag:s18] =	ssyncadd.s32 $0xFFFF9C00  }
0x83: {  	_ =	swait.ge @!p0 [sflag:s26], $0x6400  }
0x84: {  	[sflag:s26] =	ssyncset.done @!p0 $0x0  }
0x85: {  	[sflag:s26] =	ssyncadd.s32 @!p0 $0xFFFF9C00;
	s26 =	simm.s32 $0x0  }
0x86: {  	v3 =	vld [tilespmem:s26+$0x4050]  }
0x87: {  	v4 =	vld [tilespmem:s26+$0x4054]  }
0x88: {  	v5 =	vld [tilespmem:s26+$0x4000]  }
0x89: {  	v2 =	vld [tilespmem:s26+$0x4010]  }
0x8a: {  	v0 =	vld [tilespmem:s26+$0x4020]  }
0x8b: {  	v1 =	vld [tilespmem:s26+$0x4030];
	[tilespmem:s26+$0x10850] =	vst v3  }
0x8c: {  	s29 =	simm.s32 $0x80;
	v3 =	vld [tilespmem:s26+$0x4040];
	[tilespmem:s26+$0x10854] =	vst v4  }
0x8d: {  	s30 =	simm.s32 $0x400;
	s28 =	sshll.u32 s25, $0x1;
	v4 =	vld [tilespmem:s29+$0x4050];
	[tilespmem:s26+$0x10800] =	vst v5  }
.LBB2_13:
0x8e: {  	p1 =	sne.s32 s30, $0x18E00;
	v5 =	vld [tilespmem:s29+$0x4054];
	[tilespmem:s26+$0x10810] =	vst v2  }
0x8f: {  	v6 =	vld [tilespmem:s29+$0x4000];
	[tilespmem:s26+$0x10820] =	vst v0  }
.Ltmp6:
0x90: {  	v2 =	vld [tilespmem:s29+$0x4010];
	[tilespmem:s26+$0x10830] =	vst v1;
	(pc) =	sbr.rel @p1 .LBB2_13-.Ltmp6, $4  }
0x91: {  	v0 =	vld [tilespmem:s29+$0x4020];
	[tilespmem:s26+$0x10840] =	vst v3;
	s26 =	smov.u32 s29  }
0x92: {  	v1 =	vld [tilespmem:s26+$0x4030];
	[tilespmem:s26+$0x10850] =	vst v4  }
0x93: {  	s29 =	sshra.s32 s30, $0x2;
	v3 =	vld [tilespmem:s26+$0x4040];
	[tilespmem:s26+$0x10854] =	vst v5  }
0x94: {  	s30 =	sadd.s32 $0x200, s30;
	v4 =	vld [tilespmem:s29+$0x4050];
	[tilespmem:s26+$0x10800] =	vst v6  }
0x95: {  	v5 =	vld [tilespmem:s29+$0x4054];
	[tilespmem:s26+$0x10810] =	vst v2  }
0x96: {  	v2 =	vld [tilespmem:s29+$0x4000];
	[tilespmem:s26+$0x10820] =	vst v0  }
0x97: {  	v0 =	vld [tilespmem:s29+$0x4010];
	[tilespmem:s26+$0x10830] =	vst v1  }
0x98: {  	v1 =	vld [tilespmem:s29+$0x4020];
	[tilespmem:s26+$0x10840] =	vst v3  }
0x99: {  	v3 =	vld [tilespmem:s29+$0x4030];
	[tilespmem:s29+$0x10850] =	vst v4  }
0x9a: {  	v63 =	vld [tilespmem:s29+$0x4040];
	[tilespmem:s29+$0x10854] =	vst v5  }
0x9b: {  	p1 =	sne.s32 s25, $0x1F;
	[tilespmem:s29+$0x10800] =	vst v2  }
.Ltmp7:
0x9c: {  	s26 =	sor.u32 s6, s28;
	[tilespmem:s29+$0x10810] =	vst v0;
	(pc) =	sbr.rel @p1 .LBB2_16-.Ltmp7, $4  }
0x9d: {  	s30 =	smul.u32 $0xC80, s26;
	[tilespmem:s29+$0x10820] =	vst v1  }
0x9e: {  	[tilespmem:s29+$0x10830] =	vst v3  }
0x9f: {  	s31 =	sadd.s32 s5, s30;
	[tilespmem:s29+$0x10840] =	vst v63  }
0xa0: {  	[hbm4b:s31+s2] =	stream.linear.scatter [tilespmem:s19], [sflag:$0x3], $0x6400, $0x38;
	[tilespmem:$0x1D000] =	vst v63  }
.Ltmp8:
0xa1: {  	(pc) =	sbr.rel .LBB2_17-.Ltmp8, $4  }
0xa2: {  	_ = 	snop  }
0xa3: {  	_ =	swait.ge [sflag:s20], $0x6400  }
0xa4: {  	[sflag:s20] =	ssyncset.done $0x0  }
0xa5: {  	[sflag:s20] =	ssyncadd.s32 $0xFFFF9C00  }
.LBB2_16:
0xa6: {  	s28 =	sadd.s32 $0x2, s28  }
0xa7: {  	s29 =	sshll.u32 s28, $0x8;
	s28 =	sshll.u32 s28, $0x7  }
0xa8: {  	s29 =	sand.u32 $0x7800, s29;
	s28 =	sand.u32 $0x300, s28  }
0xa9: {  	s28 =	sor.u32 s28, s29  }
0xaa: {  	[tilespmem:s12], [sflag:$0x1] =	stream.indirect.gather [hbm4b:s3+s11], $0x80, s28, s11, $0xb8;
	[tilespmem:$0x1D000] =	vst v63  }
.Ltmp9:
0xab: {  	s28 =	sor.u32 $0x400, s28;
	(pc) =	sbr.rel @p0 .LBB2_18-.Ltmp9, $4  }
0xac: {  	[tilespmem:s15], [sflag:$0x1] =	stream.indirect.gather [hbm4b:s3+s13], $0x80, s28, s13, $0xb8;
	[tilespmem:$0x1D000] =	vst v63  }
0xad: {  	_ =	swait.ge [sflag:s20], $0x6400  }
0xae: {  	[sflag:s20] =	ssyncset.done $0x0  }
0xaf: {  	[sflag:s20] =	ssyncadd.s32 $0xFFFF9C00  }
.LBB2_17:
0xb0: {  	_ =	swait.ge [sflag:s21], $0x6400  }
0xb1: {  	[sflag:s21] =	ssyncset.done $0x0  }
0xb2: {  	[sflag:s21] =	ssyncadd.s32 $0xFFFF9C00  }
.LBB2_18:
0xb3: {  	s28 =	simm.s32 $0x0  }
0xb4: {  	v3 =	vld [tilespmem:s28+$0xA450]  }
0xb5: {  	v4 =	vld [tilespmem:s28+$0xA454]  }
0xb6: {  	v5 =	vld [tilespmem:s28+$0xA400]  }
0xb7: {  	v2 =	vld [tilespmem:s28+$0xA410]  }
0xb8: {  	v0 =	vld [tilespmem:s28+$0xA420]  }
0xb9: {  	v1 =	vld [tilespmem:s28+$0xA430];
	[tilespmem:s28+$0x16C50] =	vst v3  }
0xba: {  	s29 =	simm.s32 $0x80;
	v3 =	vld [tilespmem:s28+$0xA440];
	[tilespmem:s28+$0x16C54] =	vst v4  }
0xbb: {  	s30 =	simm.s32 $0x400;
	v4 =	vld [tilespmem:s29+$0xA450];
	[tilespmem:s28+$0x16C00] =	vst v5  }
.LBB2_19:
0xbc: {  	p0 =	sne.s32 s30, $0x18E00;
	v5 =	vld [tilespmem:s29+$0xA454];
	[tilespmem:s28+$0x16C10] =	vst v2  }
0xbd: {  	v6 =	vld [tilespmem:s29+$0xA400];
	[tilespmem:s28+$0x16C20] =	vst v0  }
.Ltmp10:
0xbe: {  	v2 =	vld [tilespmem:s29+$0xA410];
	[tilespmem:s28+$0x16C30] =	vst v1;
	(pc) =	sbr.rel @p0 .LBB2_19-.Ltmp10, $4  }
0xbf: {  	v0 =	vld [tilespmem:s29+$0xA420];
	[tilespmem:s28+$0x16C40] =	vst v3;
	s28 =	smov.u32 s29  }
0xc0: {  	v1 =	vld [tilespmem:s28+$0xA430];
	[tilespmem:s28+$0x16C50] =	vst v4  }
0xc1: {  	s29 =	sshra.s32 s30, $0x2;
	v3 =	vld [tilespmem:s28+$0xA440];
	[tilespmem:s28+$0x16C54] =	vst v5  }
0xc2: {  	s30 =	sadd.s32 $0x200, s30;
	v4 =	vld [tilespmem:s29+$0xA450];
	[tilespmem:s28+$0x16C00] =	vst v6  }
0xc3: {  	v5 =	vld [tilespmem:s29+$0xA454];
	[tilespmem:s28+$0x16C10] =	vst v2  }
0xc4: {  	v2 =	vld [tilespmem:s29+$0xA400];
	[tilespmem:s28+$0x16C20] =	vst v0  }
0xc5: {  	v0 =	vld [tilespmem:s29+$0xA410];
	[tilespmem:s28+$0x16C30] =	vst v1  }
0xc6: {  	v1 =	vld [tilespmem:s29+$0xA420];
	[tilespmem:s28+$0x16C40] =	vst v3  }
0xc7: {  	v3 =	vld [tilespmem:s29+$0xA430];
	[tilespmem:s29+$0x16C50] =	vst v4  }
0xc8: {  	s25 =	sadd.s32 $0x1, s25;
	v63 =	vld [tilespmem:s29+$0xA440];
	[tilespmem:s29+$0x16C54] =	vst v5  }
0xc9: {  	s26 =	smul.u32 $0x6400, s26;
	p0 =	sne.s32 s25, $0x20;
	[tilespmem:s29+$0x16C00] =	vst v2  }
.Ltmp11:
0xca: {  	[tilespmem:s29+$0x16C10] =	vst v0;
	(pc) =	sbr.rel @p0 .LBB2_12-.Ltmp11, $4  }
0xcb: {  	s26 =	sshrl.u32 s26, $0x3;
	[tilespmem:s29+$0x16C20] =	vst v1  }
0xcc: {  	s26 =	sadd.s32 s5, s26;
	[tilespmem:s29+$0x16C30] =	vst v3  }
0xcd: {  	s26 =	sadd.s32 $0xC80, s26;
	[tilespmem:s29+$0x16C40] =	vst v63  }
0xce: {  	[hbm4b:s26+s2] =	stream.linear.scatter [tilespmem:s22], [sflag:$0x4], $0x6400, $0x38;
	[tilespmem:$0x1D000] =	vst v63  }
0xcf: {  	s24 =	sadd.s32 $0x1, s24  }
0xd0: {  	_ =	swait.ge [sflag:s23], $0x6400;
	p0 =	sne.s32 s24, s9  }
.Ltmp12:
0xd1: {  	[sflag:s23] =	ssyncset.done $0x0;
	(pc) =	sbr.rel @p0 .LBB2_1-.Ltmp12, $4  }
0xd2: {  	[sflag:s23] =	ssyncadd.s32 $0xFFFF9C00  }
0xd3: {  	_ =	swait.ge [sflag:s21], $0x6400  }
0xd4: {  	[sflag:s21] =	ssyncset.done $0x0  }
0xd5: {  	[sflag:s21] =	ssyncadd.s32 $0xFFFF9C00  }
0xd6: {  	_ =	sfence.sel $0x180000  }
0xd7: {  	[bflag:$0x0] =	sbarrier.arrive $0xFFFF  }
0xd8: {  	p0 =	sne.s32 s1, $0x0;
	_ =	strace $0x90000047  }
0xd9: {  	s0 =	sadd.s32 @!p0 $0x100000, s0;
	[bflag:$0x2] =	sbarrier.arrive $0xFFFF  }
0xda: {  	[sflag:s0] =	ssyncadd.tile.s32 @!p0 $0x1;
	_ =	shalt  }
.Lfunc_end2:
_tile_overlayer_lowered:
.L_overlay_start_2:
0xdb: {  	(tag) =	ssettag $0x2  }
0xdc: {  	s0 =	rddreg [dreg:$0x0];
	s2 =	stileid.u32  }
0xdd: {  	s1 =	rddreg [dreg:$0x1];
	p0 =	sne.s32 s2, $0x0  }
0xde: {  	s3 =	rddreg [dreg:$0x2];
	[bflag:$0x3] =	sbarrier.arrive $0xFFFF;
	s2 =	simm.s32 @!p0 $0x1C05  }
0xdf: {  	[timem:s3], [sflag:s2] =	dma.local @!p0 [hbm:s0], s1  }
0xe0: {  	s0 =	simm.s32 @!p0 $0x5  }
0xe1: {  	_ =	swait.ge @!p0 [sflag:s0], s1  }
0xe2: {  	s1 =	ssub.s32 @!p0 $0x0, s1;
	[sflag:s0] =	ssyncset.done @!p0 $0x0  }
0xe3: {  	[sflag:s0] =	ssyncadd.s32 @!p0 s1  }
0xe4: {  	[bflag:$0x3] =	sbarrier.arrive $0xFFFF  }
0xe5: {  	_ =	shalt  }

</sc_bundles>
